<compile_context>
chip_gen: v7x
topology: tpu7x:2x2x1
jax: 0.10.2.dev20260603
libtpu: 0.0.44.dev20260713+nightly
codegen_flags: <defaults>
</compile_context>

<pallas_src>
import functools

import jax
import jax.numpy as jnp
from jax import lax
from jax.experimental import pallas as pl
from jax.experimental.pallas import tpu as pltpu
from jax.experimental.pallas import tpu_sc as plsc

N = 10000
D = 128
DA = 128
E = 320000
NC = 2
NS = 16
CHUNK = 96
NBUF = 3
ROWS = 3360
ROWS_ALLOC = 3363
ROWS_PER_TILE = ROWS // NS
GRPS_PER_TILE = ROWS_PER_TILE // NBUF
N_PAD = 10112
STRIPE = N_PAD // NS

_sc_mesh = plsc.VectorSubcoreMesh(core_axis_name="c", subcore_axis_name="s",
                                  num_cores=NC, num_subcores=NS)


@functools.partial(
    pl.kernel,
    out_type=[jax.ShapeDtypeStruct((N_PAD, DA), jnp.float32),
              jax.ShapeDtypeStruct((N_PAD, DA), jnp.float32),
              jax.ShapeDtypeStruct((NS, N_PAD), jnp.float32),
              jax.ShapeDtypeStruct((NS, N_PAD), jnp.float32)],
    mesh=_sc_mesh,
    scratch_types=[
        [pltpu.VMEM((NBUF, CHUNK), jnp.int32) for _ in range(2)],
        [pltpu.VMEM((NBUF, CHUNK), jnp.int32) for _ in range(2)],
        [pltpu.VMEM((CHUNK, DA), jnp.float32) for _ in range(NBUF)],
        pltpu.VMEM((N_PAD,), jnp.float32),
        pltpu.VMEM_SHARED((N_PAD, DA), jnp.float32),
        [pltpu.SemaphoreType.DMA for _ in range(NBUF)],
        [pltpu.SemaphoreType.DMA for _ in range(NBUF)],
        [pltpu.SemaphoreType.DMA for _ in range(2)],
    ],
    compiler_params=pltpu.CompilerParams(use_tc_tiling_on_sc=False,
                                         needs_layout_passes=False),
)
def _sc_accumulate(xu, xi, src_ui, dst_ui, src_iu, dst_iu, zeros, zeros1d,
                   acc_item, acc_user, cnt_item, cnt_user, sidx, didx, rows,
                   hist, acc_sh, gsems, ssems, isems):
    c = lax.axis_index("c")
    s = lax.axis_index("s")

    pltpu.sync_copy(zeros.at[pl.ds(s * STRIPE, STRIPE)],
                    acc_sh.at[pl.ds(s * STRIPE, STRIPE)])
    pltpu.sync_copy(zeros1d, hist)
    plsc.subcore_barrier()

    def run_edges(src_hbm, dst_hbm, x_hbm):
        base = s * ROWS_PER_TILE

        def start_idx(grp_row, p):
            pltpu.async_copy(src_hbm.at[pl.ds(grp_row, NBUF)], sidx[p],
                             isems[p])
            pltpu.async_copy(dst_hbm.at[pl.ds(grp_row, NBUF)], didx[p],
                             isems[p])

        def drain_idx(p):
            pltpu.make_async_copy(src_hbm.at[pl.ds(0, NBUF)], sidx[p],
                                  isems[p]).wait()
            pltpu.make_async_copy(src_hbm.at[pl.ds(0, NBUF)], didx[p],
                                  isems[p]).wait()

        def drain_scatter(k):
            pltpu.make_async_copy(x_hbm.at[pl.ds(0, CHUNK)], rows[k],
                                  ssems[k]).wait()

        ones_v = jnp.full((16,), 1.0, jnp.float32)

        def hist_update(p, k):
            for v in range(CHUNK // 16):
                idxv = didx[p][k, pl.ds(v * 16, 16)]
                plsc.addupdate_scatter(hist, [idxv], ones_v)

        def do_group(i, p, first):
            drain_idx(p)
            gds = []
            for k in range(NBUF):
                if first is None:
                    drain_scatter(k)
                else:
                    @pl.when(first > 0)
                    def _(k=k):
                        drain_scatter(k)
                if k == NBUF - 1:
                    start_idx(base + (i + 1) * NBUF, 1 - p)
                gds.append(pltpu.async_copy(x_hbm.at[sidx[p].at[k]],
                                            rows[k], gsems[k]))
            for k in range(NBUF):
                hist_update(p, k)
            for k in range(NBUF):
                gds[k].wait()
                pltpu.async_copy(rows[k], acc_sh.at[didx[p].at[k]],
                                 ssems[k], add=True)

        start_idx(base, 0)

        def body(i, carry):
            do_group(2 * i, 0, first=i)
            do_group(2 * i + 1, 1, first=None)
            return carry
        lax.fori_loop(0, GRPS_PER_TILE // 2, body, 0)
        drain_idx(0)
        for k in range(NBUF):
            drain_scatter(k)

    @pl.when(c == 0)
    def _():
        run_edges(src_ui, dst_ui, xu)

    @pl.when(c == 1)
    def _():
        run_edges(src_iu, dst_iu, xi)

    plsc.subcore_barrier()

    @pl.when(c == 0)
    def _():
        pltpu.sync_copy(acc_sh.at[pl.ds(s * STRIPE, STRIPE)],
                        acc_item.at[pl.ds(s * STRIPE, STRIPE)])
        pltpu.sync_copy(hist, cnt_item.at[s])

    @pl.when(c == 1)
    def _():
        pltpu.sync_copy(acc_sh.at[pl.ds(s * STRIPE, STRIPE)],
                        acc_user.at[pl.ds(s * STRIPE, STRIPE)])
        pltpu.sync_copy(hist, cnt_user.at[s])


def _tc_body(acc_u, acc_i, cnt_u, cnt_i, xu, xi,
             wl_iu, wr_iu, b_iu, wl_ui, wr_ui, b_ui, out):
    for t, (acc, cnt_t, xd, wl, wr, b) in enumerate((
            (acc_u, cnt_u, xu, wl_iu, wr_iu, b_iu),
            (acc_i, cnt_i, xi, wl_ui, wr_ui, b_ui))):
        summed = acc[:N, :]
        cnt = jnp.sum(cnt_t[...], axis=0)[:N, None]
        mean = summed / jnp.maximum(cnt, 1.0)
        out[t] = (jnp.dot(mean, wl[...], preferred_element_type=jnp.float32)
                  + jnp.dot(xd[...], wr[...], preferred_element_type=jnp.float32)
                  + b[...])


def kernel(x_user, x_item, edge_index_rates, edge_index_rev,
           W_l_ui, W_r_ui, b_ui, W_l_iu, W_r_iu, b_iu):
    pad = ROWS_ALLOC * CHUNK - E

    def pad_edges(ei):
        src = jnp.concatenate([ei[0].astype(jnp.int32),
                               jnp.zeros((pad,), jnp.int32)])
        dst = jnp.concatenate([ei[1].astype(jnp.int32),
                               jnp.full((pad,), N, jnp.int32)])
        return src.reshape(ROWS_ALLOC, CHUNK), dst.reshape(ROWS_ALLOC, CHUNK)

    src_ui, dst_ui = pad_edges(edge_index_rates)
    src_iu, dst_iu = pad_edges(edge_index_rev)
    zeros = jnp.zeros((N_PAD, DA), jnp.float32)
    zeros1d = jnp.zeros((N_PAD,), jnp.float32)

    acc_item, acc_user, cnt_item, cnt_user = _sc_accumulate(
        x_user, x_item, src_ui, dst_ui, src_iu, dst_iu, zeros, zeros1d)

    out = pl.pallas_call(
        _tc_body,
        out_shape=jax.ShapeDtypeStruct((2, N, D), jnp.float32),
    )(acc_user, acc_item, cnt_user, cnt_item, x_user, x_item,
      W_l_iu, W_r_iu, b_iu.reshape(1, D),
      W_l_ui, W_r_ui, b_ui.reshape(1, D))
    return out

# --- scband reference (transcript-rebuilt; emitter-appended) ---
"""Pipeline reference for scband-encoder-4269197492519 (READ-ONLY COPY).

The authoritative reference and input builder live on the scoring server;
editing this copy changes nothing except your own understanding.
"""

import jax, jax.numpy as jnp
import numpy as np

N_USER = 10000
N_ITEM = 10000
D_IN = 128
D_OUT = 128
E = 320000


def _sage_conv(x_src, x_dst, edge_index, W_l, W_r, b):
    # SAGEConv((-1,-1), hidden) with mean aggregation, root_weight=True, bias=True
    src = edge_index[0]
    dst = edge_index[1]
    msgs = jnp.take(x_src, src, axis=0)                      # gather  [E, D_IN]
    summed = jax.ops.segment_sum(msgs, dst, num_segments=x_dst.shape[0])
    cnt = jax.ops.segment_sum(jnp.ones((edge_index.shape[1],), dtype=x_src.dtype), dst,
                              num_segments=x_dst.shape[0])
    mean = summed / jnp.clip(cnt, 1.0)[:, None]
    return mean @ W_l + x_dst @ W_r + b


def setup_inputs(seed: int = 0) -> dict:
    key = jax.random.key(seed)
    ks = jax.random.split(key, 10)
    x_user = jax.random.normal(ks[0], (N_USER, D_IN), dtype=jnp.float32)
    x_item = jax.random.normal(ks[1], (N_ITEM, D_IN), dtype=jnp.float32)
    edge_index_rates = jax.random.randint(ks[2], (2, E), 0, N_ITEM, dtype=jnp.int64 if jax.config.jax_enable_x64 else jnp.int32)
    edge_index_rev = jax.random.randint(ks[3], (2, E), 0, N_USER, dtype=jnp.int64 if jax.config.jax_enable_x64 else jnp.int32)
    s = 1.0 / np.sqrt(D_IN)
    W_l_ui = jax.random.uniform(ks[4], (D_IN, D_OUT), jnp.float32, -s, s)
    W_r_ui = jax.random.uniform(ks[5], (D_IN, D_OUT), jnp.float32, -s, s)
    b_ui = jnp.zeros((D_OUT,), jnp.float32)
    W_l_iu = jax.random.uniform(ks[6], (D_IN, D_OUT), jnp.float32, -s, s)
    W_r_iu = jax.random.uniform(ks[7], (D_IN, D_OUT), jnp.float32, -s, s)
    b_iu = jnp.zeros((D_OUT,), jnp.float32)
    return {
        "x_user": x_user, "x_item": x_item,
        "edge_index_rates": edge_index_rates, "edge_index_rev": edge_index_rev,
        "W_l_ui": W_l_ui, "W_r_ui": W_r_ui, "b_ui": b_ui,
        "W_l_iu": W_l_iu, "W_r_iu": W_r_iu, "b_iu": b_iu,
    }


def reference(x_user, x_item, edge_index_rates, edge_index_rev,
              W_l_ui, W_r_ui, b_ui, W_l_iu, W_r_iu, b_iu):
    # HeteroConv with one SAGEConv per edge type; aggr='mean' across edge types
    # (each node type receives exactly one edge type here, so mean is identity).
    out_item = _sage_conv(x_user, x_item, edge_index_rates, W_l_ui, W_r_ui, b_ui)
    out_user = _sage_conv(x_item, x_user, edge_index_rev, W_l_iu, W_r_iu, b_iu)
    return jnp.stack([out_user, out_item], axis=0)  # [2, N, D_OUT]

if __name__ == "__main__":
    import jax
    _d = setup_inputs()
    print(jax.jit(kernel)(*tuple(_d.values())))

</pallas_src>

<mosaic_0001>
#map = affine_map<(d0, d1) -> (0, 0)>
#map1 = affine_map<(d0, d1) -> (0)>
module attributes {stable_mosaic.version = 14 : i64} {
  func.func @_sc_accumulate(%arg0: i32, %arg1: i32, %arg2: memref<10000x128xf32, #tpu.memory_space<hbm>>, %arg3: memref<10000x128xf32, #tpu.memory_space<hbm>>, %arg4: memref<3363x96xi32, #tpu.memory_space<hbm>>, %arg5: memref<3363x96xi32, #tpu.memory_space<hbm>>, %arg6: memref<3363x96xi32, #tpu.memory_space<hbm>>, %arg7: memref<3363x96xi32, #tpu.memory_space<hbm>>, %arg8: memref<10112x128xf32, #tpu.memory_space<hbm>>, %arg9: memref<10112xf32, #tpu.memory_space<hbm>>, %arg10: memref<10112x128xf32, #tpu.memory_space<hbm>>, %arg11: memref<10112x128xf32, #tpu.memory_space<hbm>>, %arg12: memref<16x10112xf32, #tpu.memory_space<hbm>>, %arg13: memref<16x10112xf32, #tpu.memory_space<hbm>>, %arg14: memref<3x96xi32, #tpu.memory_space<vmem>>, %arg15: memref<3x96xi32, #tpu.memory_space<vmem>>, %arg16: memref<3x96xi32, #tpu.memory_space<vmem>>, %arg17: memref<3x96xi32, #tpu.memory_space<vmem>>, %arg18: memref<96x128xf32, #tpu.memory_space<vmem>>, %arg19: memref<96x128xf32, #tpu.memory_space<vmem>>, %arg20: memref<96x128xf32, #tpu.memory_space<vmem>>, %arg21: memref<10112xf32, #tpu.memory_space<vmem>>, %arg22: memref<10112x128xf32, #tpu.memory_space<vmem_shared>>, %arg23: memref<!tpu.dma_semaphore, #tpu.memory_space<semaphore_mem>>, %arg24: memref<!tpu.dma_semaphore, #tpu.memory_space<semaphore_mem>>, %arg25: memref<!tpu.dma_semaphore, #tpu.memory_space<semaphore_mem>>, %arg26: memref<!tpu.dma_semaphore, #tpu.memory_space<semaphore_mem>>, %arg27: memref<!tpu.dma_semaphore, #tpu.memory_space<semaphore_mem>>, %arg28: memref<!tpu.dma_semaphore, #tpu.memory_space<semaphore_mem>>, %arg29: memref<!tpu.dma_semaphore, #tpu.memory_space<semaphore_mem>>, %arg30: memref<!tpu.dma_semaphore, #tpu.memory_space<semaphore_mem>>) attributes {dimension_semantics = [#tpu.dimension_semantics<core_parallel>, #tpu.dimension_semantics<subcore_parallel>], iteration_bounds = array<i64: 2, 16>, scalar_prefetch = 0 : i64, scratch_operands = 17 : i64, tpu.core_type = #tpu.core_type<sc_vector_subcore>, window_params = [{transform_indices = #map}, {transform_indices = #map}, {transform_indices = #map}, {transform_indices = #map}, {transform_indices = #map}, {transform_indices = #map}, {transform_indices = #map}, {transform_indices = #map1}, {transform_indices = #map}, {transform_indices = #map}, {transform_indices = #map}, {transform_indices = #map}]} {
    %mul3A = arith.constant 632 : i32
    %mul3A_0 = arith.muli %arg1, %mul3A : i32
    %mul3A_1 = arith.constant 632 : i32
    %mul3A_2 = arith.muli %arg1, %mul3A_1 : i32
    "tpu.region"() ({
      %run_scoped3A = tpu.sem_alloc : memref<!tpu.dma_semaphore, #tpu.memory_space<semaphore_mem>>
      %dma_start3A = arith.constant 0 : i32
      %dma_start3A_21 = tpu.memref_slice %arg22[%mul3A_2, %dma_start3A] : memref<10112x128xf32, #tpu.memory_space<vmem_shared>> -> memref<632x128xf32, #tpu.memory_space<vmem_shared>>
      %dma_start3A_22 = arith.constant 0 : i32
      %dma_start3A_23 = tpu.memref_slice %arg8[%mul3A_0, %dma_start3A_22] : memref<10112x128xf32, #tpu.memory_space<hbm>> -> memref<632x128xf32, #tpu.memory_space<hbm>>
      tpu.enqueue_dma source(%dma_start3A_23 : memref<632x128xf32, #tpu.memory_space<hbm>>) target(%dma_start3A_21 : memref<632x128xf32, #tpu.memory_space<vmem_shared>>) target_semaphore(%run_scoped3A : memref<!tpu.dma_semaphore, #tpu.memory_space<semaphore_mem>>)
      %dma_wait3A = arith.constant 0 : i32
      %dma_wait3A_24 = tpu.memref_slice %arg22[%mul3A_2, %dma_wait3A] : memref<10112x128xf32, #tpu.memory_space<vmem_shared>> -> memref<632x128xf32, #tpu.memory_space<vmem_shared>>
      %dma_wait3A_25 = arith.constant 0 : i32
      %dma_wait3A_26 = tpu.memref_slice %arg8[%mul3A_0, %dma_wait3A_25] : memref<10112x128xf32, #tpu.memory_space<hbm>> -> memref<632x128xf32, #tpu.memory_space<hbm>>
      tpu.wait_dma2 semaphore(%run_scoped3A : memref<!tpu.dma_semaphore, #tpu.memory_space<semaphore_mem>>) src(%dma_wait3A_26 : memref<632x128xf32, #tpu.memory_space<hbm>>) dst(%dma_wait3A_24 : memref<632x128xf32, #tpu.memory_space<vmem_shared>>)
      tpu.yield
    }) : () -> ()
    "tpu.region"() ({
      %run_scoped3A = tpu.sem_alloc : memref<!tpu.dma_semaphore, #tpu.memory_space<semaphore_mem>>
      tpu.enqueue_dma source(%arg9 : memref<10112xf32, #tpu.memory_space<hbm>>) target(%arg21 : memref<10112xf32, #tpu.memory_space<vmem>>) target_semaphore(%run_scoped3A : memref<!tpu.dma_semaphore, #tpu.memory_space<semaphore_mem>>)
      tpu.wait_dma2 semaphore(%run_scoped3A : memref<!tpu.dma_semaphore, #tpu.memory_space<semaphore_mem>>) src(%arg9 : memref<10112xf32, #tpu.memory_space<hbm>>) dst(%arg21 : memref<10112xf32, #tpu.memory_space<vmem>>)
      tpu.yield
    }) : () -> ()
    %barrier3A = arith.constant 0 : index
    tpu.barrier barrier_id(%barrier3A)
    %eq3A = arith.constant 0 : i32
    %eq3A_3 = arith.cmpi eq, %arg0, %eq3A : i32
    %convert_element_type3A = arith.extui %eq3A_3 : i1 to i32
    %cond3A = arith.constant 0 : i32
    %cond3A_4 = arith.cmpi ne, %convert_element_type3A, %cond3A : i32
    scf.if %cond3A_4 {
      %mul3A_21 = arith.constant 210 : i32
      %mul3A_22 = arith.muli %arg1, %mul3A_21 : i32
      %broadcast_in_dim3A = arith.constant 1.000000e+00 : f32
      %broadcast_in_dim3A_23 = vector.broadcast %broadcast_in_dim3A : f32 to vector<16xf32>
      %dma_start3A = arith.constant 0 : i32
      %dma_start3A_24 = tpu.memref_slice %arg4[%mul3A_22, %dma_start3A] : memref<3363x96xi32, #tpu.memory_space<hbm>> -> memref<3x96xi32, #tpu.memory_space<hbm>>
      %dma_start3A_25 = arith.constant 0 : i32
      %dma_start3A_26 = tpu.memref_slice %arg4[%mul3A_22, %dma_start3A_25] : memref<3363x96xi32, #tpu.memory_space<hbm>> -> memref<3x96xi32, #tpu.memory_space<hbm>>
      tpu.enqueue_dma source(%dma_start3A_26 : memref<3x96xi32, #tpu.memory_space<hbm>>) target(%arg14 : memref<3x96xi32, #tpu.memory_space<vmem>>) target_semaphore(%arg29 : memref<!tpu.dma_semaphore, #tpu.memory_space<semaphore_mem>>)
      %dma_start3A_27 = arith.constant 0 : i32
      %dma_start3A_28 = tpu.memref_slice %arg5[%mul3A_22, %dma_start3A_27] : memref<3363x96xi32, #tpu.memory_space<hbm>> -> memref<3x96xi32, #tpu.memory_space<hbm>>
      %dma_start3A_29 = arith.constant 0 : i32
      %dma_start3A_30 = tpu.memref_slice %arg5[%mul3A_22, %dma_start3A_29] : memref<3363x96xi32, #tpu.memory_space<hbm>> -> memref<3x96xi32, #tpu.memory_space<hbm>>
      tpu.enqueue_dma source(%dma_start3A_30 : memref<3x96xi32, #tpu.memory_space<hbm>>) target(%arg16 : memref<3x96xi32, #tpu.memory_space<vmem>>) target_semaphore(%arg29 : memref<!tpu.dma_semaphore, #tpu.memory_space<semaphore_mem>>)
      %scan3A = arith.constant 0 : i32
      %scan3A_31 = arith.constant 0 : i32
      %scan3A_32 = arith.constant 35 : i32
      %scan3A_33 = arith.addi %scan3A_31, %scan3A_32 : i32
      %scan3A_34 = arith.constant 1 : i32
      scf.for %scan3A_65 = %scan3A_31 to %scan3A_33 step %scan3A_34  : i32 {
        %mul3A_66 = arith.constant 2 : i32
        %mul3A_67 = arith.muli %mul3A_66, %scan3A_65 : i32
        %dma_wait3A_68 = arith.constant 0 : i32
        %dma_wait3A_69 = arith.constant 0 : i32
        %dma_wait3A_70 = tpu.memref_slice %arg4[%dma_wait3A_68, %dma_wait3A_69] : memref<3363x96xi32, #tpu.memory_space<hbm>> -> memref<3x96xi32, #tpu.memory_space<hbm>>
        %dma_wait3A_71 = arith.constant 0 : i32
        %dma_wait3A_72 = arith.constant 0 : i32
        %dma_wait3A_73 = tpu.memref_slice %arg4[%dma_wait3A_71, %dma_wait3A_72] : memref<3363x96xi32, #tpu.memory_space<hbm>> -> memref<3x96xi32, #tpu.memory_space<hbm>>
        tpu.wait_dma2 semaphore(%arg29 : memref<!tpu.dma_semaphore, #tpu.memory_space<semaphore_mem>>) src(%dma_wait3A_73 : memref<3x96xi32, #tpu.memory_space<hbm>>) dst(%arg14 : memref<3x96xi32, #tpu.memory_space<vmem>>)
        %dma_wait3A_74 = arith.constant 0 : i32
        %dma_wait3A_75 = arith.constant 0 : i32
        %dma_wait3A_76 = tpu.memref_slice %arg4[%dma_wait3A_74, %dma_wait3A_75] : memref<3363x96xi32, #tpu.memory_space<hbm>> -> memref<3x96xi32, #tpu.memory_space<hbm>>
        %dma_wait3A_77 = arith.constant 0 : i32
        %dma_wait3A_78 = arith.constant 0 : i32
        %dma_wait3A_79 = tpu.memref_slice %arg4[%dma_wait3A_77, %dma_wait3A_78] : memref<3363x96xi32, #tpu.memory_space<hbm>> -> memref<3x96xi32, #tpu.memory_space<hbm>>
        tpu.wait_dma2 semaphore(%arg29 : memref<!tpu.dma_semaphore, #tpu.memory_space<semaphore_mem>>) src(%dma_wait3A_79 : memref<3x96xi32, #tpu.memory_space<hbm>>) dst(%arg16 : memref<3x96xi32, #tpu.memory_space<vmem>>)
        %gt3A = arith.constant 0 : i32
        %gt3A_80 = arith.cmpi sgt, %scan3A_65, %gt3A : i32
        %convert_element_type3A_81 = arith.extui %gt3A_80 : i1 to i32
        %cond3A_82 = arith.constant 0 : i32
        %cond3A_83 = arith.cmpi ne, %convert_element_type3A_81, %cond3A_82 : i32
        scf.if %cond3A_83 {
          %dma_wait3A_422 = arith.constant 0 : i32
          %dma_wait3A_423 = arith.constant 0 : i32
          %dma_wait3A_424 = tpu.memref_slice %arg2[%dma_wait3A_422, %dma_wait3A_423] : memref<10000x128xf32, #tpu.memory_space<hbm>> -> memref<96x128xf32, #tpu.memory_space<hbm>>
          %dma_wait3A_425 = arith.constant 0 : i32
          %dma_wait3A_426 = arith.constant 0 : i32
          %dma_wait3A_427 = tpu.memref_slice %arg2[%dma_wait3A_425, %dma_wait3A_426] : memref<10000x128xf32, #tpu.memory_space<hbm>> -> memref<96x128xf32, #tpu.memory_space<hbm>>
          tpu.wait_dma2 semaphore(%arg26 : memref<!tpu.dma_semaphore, #tpu.memory_space<semaphore_mem>>) src(%dma_wait3A_427 : memref<96x128xf32, #tpu.memory_space<hbm>>) dst(%arg18 : memref<96x128xf32, #tpu.memory_space<vmem>>)
        } else {
        }
        %dma_start3A_84 = arith.constant 0 : i32
        %dma_start3A_85 = arith.constant 0 : i32
        %dma_start3A_86 = tpu.memref_slice %arg14[%dma_start3A_84, %dma_start3A_85] : memref<3x96xi32, #tpu.memory_space<vmem>> -> memref<1x96xi32, #tpu.memory_space<vmem>>
        %dma_start3A_87 = tpu.memref_squeeze %dma_start3A_86 : memref<1x96xi32, #tpu.memory_space<vmem>> -> memref<96xi32, #tpu.memory_space<vmem>>
        %dma_start3A_88 = arith.constant 0 : i32
        %dma_start3A_89 = arith.constant 0 : i32
        %dma_start3A_90 = tpu.memref_slice %arg2[%dma_start3A_88, %dma_start3A_89] : memref<10000x128xf32, #tpu.memory_space<hbm>> -> memref<10000x128xf32, #tpu.memory_space<hbm>>
        tpu.enqueue_indirect_dma source(%dma_start3A_90 : memref<10000x128xf32, #tpu.memory_space<hbm>>) target(%arg18 : memref<96x128xf32, #tpu.memory_space<vmem>>) offsets(%dma_start3A_87 : memref<96xi32, #tpu.memory_space<vmem>>) semaphore(%arg23 : memref<!tpu.dma_semaphore, #tpu.memory_space<semaphore_mem>>)
        %gt3A_91 = arith.constant 0 : i32
        %gt3A_92 = arith.cmpi sgt, %scan3A_65, %gt3A_91 : i32
        %convert_element_type3A_93 = arith.extui %gt3A_92 : i1 to i32
        %cond3A_94 = arith.constant 0 : i32
        %cond3A_95 = arith.cmpi ne, %convert_element_type3A_93, %cond3A_94 : i32
        scf.if %cond3A_95 {
          %dma_wait3A_422 = arith.constant 0 : i32
          %dma_wait3A_423 = arith.constant 0 : i32
          %dma_wait3A_424 = tpu.memref_slice %arg2[%dma_wait3A_422, %dma_wait3A_423] : memref<10000x128xf32, #tpu.memory_space<hbm>> -> memref<96x128xf32, #tpu.memory_space<hbm>>
          %dma_wait3A_425 = arith.constant 0 : i32
          %dma_wait3A_426 = arith.constant 0 : i32
          %dma_wait3A_427 = tpu.memref_slice %arg2[%dma_wait3A_425, %dma_wait3A_426] : memref<10000x128xf32, #tpu.memory_space<hbm>> -> memref<96x128xf32, #tpu.memory_space<hbm>>
          tpu.wait_dma2 semaphore(%arg27 : memref<!tpu.dma_semaphore, #tpu.memory_space<semaphore_mem>>) src(%dma_wait3A_427 : memref<96x128xf32, #tpu.memory_space<hbm>>) dst(%arg19 : memref<96x128xf32, #tpu.memory_space<vmem>>)
        } else {
        }
        %dma_start3A_96 = arith.constant 1 : i32
        %dma_start3A_97 = arith.constant 0 : i32
        %dma_start3A_98 = tpu.memref_slice %arg14[%dma_start3A_96, %dma_start3A_97] : memref<3x96xi32, #tpu.memory_space<vmem>> -> memref<1x96xi32, #tpu.memory_space<vmem>>
        %dma_start3A_99 = tpu.memref_squeeze %dma_start3A_98 : memref<1x96xi32, #tpu.memory_space<vmem>> -> memref<96xi32, #tpu.memory_space<vmem>>
        %dma_start3A_100 = arith.constant 0 : i32
        %dma_start3A_101 = arith.constant 0 : i32
        %dma_start3A_102 = tpu.memref_slice %arg2[%dma_start3A_100, %dma_start3A_101] : memref<10000x128xf32, #tpu.memory_space<hbm>> -> memref<10000x128xf32, #tpu.memory_space<hbm>>
        tpu.enqueue_indirect_dma source(%dma_start3A_102 : memref<10000x128xf32, #tpu.memory_space<hbm>>) target(%arg19 : memref<96x128xf32, #tpu.memory_space<vmem>>) offsets(%dma_start3A_99 : memref<96xi32, #tpu.memory_space<vmem>>) semaphore(%arg24 : memref<!tpu.dma_semaphore, #tpu.memory_space<semaphore_mem>>)
        %gt3A_103 = arith.constant 0 : i32
        %gt3A_104 = arith.cmpi sgt, %scan3A_65, %gt3A_103 : i32
        %convert_element_type3A_105 = arith.extui %gt3A_104 : i1 to i32
        %cond3A_106 = arith.constant 0 : i32
        %cond3A_107 = arith.cmpi ne, %convert_element_type3A_105, %cond3A_106 : i32
        scf.if %cond3A_107 {
          %dma_wait3A_422 = arith.constant 0 : i32
          %dma_wait3A_423 = arith.constant 0 : i32
          %dma_wait3A_424 = tpu.memref_slice %arg2[%dma_wait3A_422, %dma_wait3A_423] : memref<10000x128xf32, #tpu.memory_space<hbm>> -> memref<96x128xf32, #tpu.memory_space<hbm>>
          %dma_wait3A_425 = arith.constant 0 : i32
          %dma_wait3A_426 = arith.constant 0 : i32
          %dma_wait3A_427 = tpu.memref_slice %arg2[%dma_wait3A_425, %dma_wait3A_426] : memref<10000x128xf32, #tpu.memory_space<hbm>> -> memref<96x128xf32, #tpu.memory_space<hbm>>
          tpu.wait_dma2 semaphore(%arg28 : memref<!tpu.dma_semaphore, #tpu.memory_space<semaphore_mem>>) src(%dma_wait3A_427 : memref<96x128xf32, #tpu.memory_space<hbm>>) dst(%arg20 : memref<96x128xf32, #tpu.memory_space<vmem>>)
        } else {
        }
        %add3A = arith.constant 1 : i32
        %add3A_108 = arith.addi %mul3A_67, %add3A : i32
        %mul3A_109 = arith.constant 3 : i32
        %mul3A_110 = arith.muli %add3A_108, %mul3A_109 : i32
        %add3A_111 = arith.addi %mul3A_22, %mul3A_110 : i32
        %dma_start3A_112 = arith.constant 0 : i32
        %dma_start3A_113 = tpu.memref_slice %arg4[%add3A_111, %dma_start3A_112] : memref<3363x96xi32, #tpu.memory_space<hbm>> -> memref<3x96xi32, #tpu.memory_space<hbm>>
        %dma_start3A_114 = arith.constant 0 : i32
        %dma_start3A_115 = tpu.memref_slice %arg4[%add3A_111, %dma_start3A_114] : memref<3363x96xi32, #tpu.memory_space<hbm>> -> memref<3x96xi32, #tpu.memory_space<hbm>>
        tpu.enqueue_dma source(%dma_start3A_115 : memref<3x96xi32, #tpu.memory_space<hbm>>) target(%arg15 : memref<3x96xi32, #tpu.memory_space<vmem>>) target_semaphore(%arg30 : memref<!tpu.dma_semaphore, #tpu.memory_space<semaphore_mem>>)
        %dma_start3A_116 = arith.constant 0 : i32
        %dma_start3A_117 = tpu.memref_slice %arg5[%add3A_111, %dma_start3A_116] : memref<3363x96xi32, #tpu.memory_space<hbm>> -> memref<3x96xi32, #tpu.memory_space<hbm>>
        %dma_start3A_118 = arith.constant 0 : i32
        %dma_start3A_119 = tpu.memref_slice %arg5[%add3A_111, %dma_start3A_118] : memref<3363x96xi32, #tpu.memory_space<hbm>> -> memref<3x96xi32, #tpu.memory_space<hbm>>
        tpu.enqueue_dma source(%dma_start3A_119 : memref<3x96xi32, #tpu.memory_space<hbm>>) target(%arg17 : memref<3x96xi32, #tpu.memory_space<vmem>>) target_semaphore(%arg30 : memref<!tpu.dma_semaphore, #tpu.memory_space<semaphore_mem>>)
        %dma_start3A_120 = arith.constant 2 : i32
        %dma_start3A_121 = arith.constant 0 : i32
        %dma_start3A_122 = tpu.memref_slice %arg14[%dma_start3A_120, %dma_start3A_121] : memref<3x96xi32, #tpu.memory_space<vmem>> -> memref<1x96xi32, #tpu.memory_space<vmem>>
        %dma_start3A_123 = tpu.memref_squeeze %dma_start3A_122 : memref<1x96xi32, #tpu.memory_space<vmem>> -> memref<96xi32, #tpu.memory_space<vmem>>
        %dma_start3A_124 = arith.constant 0 : i32
        %dma_start3A_125 = arith.constant 0 : i32
        %dma_start3A_126 = tpu.memref_slice %arg2[%dma_start3A_124, %dma_start3A_125] : memref<10000x128xf32, #tpu.memory_space<hbm>> -> memref<10000x128xf32, #tpu.memory_space<hbm>>
        tpu.enqueue_indirect_dma source(%dma_start3A_126 : memref<10000x128xf32, #tpu.memory_space<hbm>>) target(%arg20 : memref<96x128xf32, #tpu.memory_space<vmem>>) offsets(%dma_start3A_123 : memref<96xi32, #tpu.memory_space<vmem>>) semaphore(%arg25 : memref<!tpu.dma_semaphore, #tpu.memory_space<semaphore_mem>>)
        %get3A = arith.constant 0 : i32
        %get3A_127 = arith.index_cast %get3A : i32 to index
        %get3A_128 = arith.constant 0 : index
        %get3A_129 = tpu.vector_load %arg16[%get3A_127, %get3A_128] {strides = array<i32>} : memref<3x96xi32, #tpu.memory_space<vmem>>, vector<16xi32>,
        tpu.vector_store_idx %arg21[%get3A_129], %broadcast_in_dim3A_23 {add = true} : memref<10112xf32, #tpu.memory_space<vmem>>[vector<16xi32>], vector<16xf32>,
        %get3A_130 = arith.constant 0 : i32
        %get3A_131 = arith.index_cast %get3A_130 : i32 to index
        %get3A_132 = arith.constant 16 : index
        %get3A_133 = tpu.vector_load %arg16[%get3A_131, %get3A_132] {strides = array<i32>} : memref<3x96xi32, #tpu.memory_space<vmem>>, vector<16xi32>,
        tpu.vector_store_idx %arg21[%get3A_133], %broadcast_in_dim3A_23 {add = true} : memref<10112xf32, #tpu.memory_space<vmem>>[vector<16xi32>], vector<16xf32>,
        %get3A_134 = arith.constant 0 : i32
        %get3A_135 = arith.index_cast %get3A_134 : i32 to index
        %get3A_136 = arith.constant 32 : index
        %get3A_137 = tpu.vector_load %arg16[%get3A_135, %get3A_136] {strides = array<i32>} : memref<3x96xi32, #tpu.memory_space<vmem>>, vector<16xi32>,
        tpu.vector_store_idx %arg21[%get3A_137], %broadcast_in_dim3A_23 {add = true} : memref<10112xf32, #tpu.memory_space<vmem>>[vector<16xi32>], vector<16xf32>,
        %get3A_138 = arith.constant 0 : i32
        %get3A_139 = arith.index_cast %get3A_138 : i32 to index
        %get3A_140 = arith.constant 48 : index
        %get3A_141 = tpu.vector_load %arg16[%get3A_139, %get3A_140] {strides = array<i32>} : memref<3x96xi32, #tpu.memory_space<vmem>>, vector<16xi32>,
        tpu.vector_store_idx %arg21[%get3A_141], %broadcast_in_dim3A_23 {add = true} : memref<10112xf32, #tpu.memory_space<vmem>>[vector<16xi32>], vector<16xf32>,
        %get3A_142 = arith.constant 0 : i32
        %get3A_143 = arith.index_cast %get3A_142 : i32 to index
        %get3A_144 = arith.constant 64 : index
        %get3A_145 = tpu.vector_load %arg16[%get3A_143, %get3A_144] {strides = array<i32>} : memref<3x96xi32, #tpu.memory_space<vmem>>, vector<16xi32>,
        tpu.vector_store_idx %arg21[%get3A_145], %broadcast_in_dim3A_23 {add = true} : memref<10112xf32, #tpu.memory_space<vmem>>[vector<16xi32>], vector<16xf32>,
        %get3A_146 = arith.constant 0 : i32
        %get3A_147 = arith.index_cast %get3A_146 : i32 to index
        %get3A_148 = arith.constant 80 : index
        %get3A_149 = tpu.vector_load %arg16[%get3A_147, %get3A_148] {strides = array<i32>} : memref<3x96xi32, #tpu.memory_space<vmem>>, vector<16xi32>,
        tpu.vector_store_idx %arg21[%get3A_149], %broadcast_in_dim3A_23 {add = true} : memref<10112xf32, #tpu.memory_space<vmem>>[vector<16xi32>], vector<16xf32>,
        %get3A_150 = arith.constant 1 : i32
        %get3A_151 = arith.index_cast %get3A_150 : i32 to index
        %get3A_152 = arith.constant 0 : index
        %get3A_153 = tpu.vector_load %arg16[%get3A_151, %get3A_152] {strides = array<i32>} : memref<3x96xi32, #tpu.memory_space<vmem>>, vector<16xi32>,
        tpu.vector_store_idx %arg21[%get3A_153], %broadcast_in_dim3A_23 {add = true} : memref<10112xf32, #tpu.memory_space<vmem>>[vector<16xi32>], vector<16xf32>,
        %get3A_154 = arith.constant 1 : i32
        %get3A_155 = arith.index_cast %get3A_154 : i32 to index
        %get3A_156 = arith.constant 16 : index
        %get3A_157 = tpu.vector_load %arg16[%get3A_155, %get3A_156] {strides = array<i32>} : memref<3x96xi32, #tpu.memory_space<vmem>>, vector<16xi32>,
        tpu.vector_store_idx %arg21[%get3A_157], %broadcast_in_dim3A_23 {add = true} : memref<10112xf32, #tpu.memory_space<vmem>>[vector<16xi32>], vector<16xf32>,
        %get3A_158 = arith.constant 1 : i32
        %get3A_159 = arith.index_cast %get3A_158 : i32 to index
        %get3A_160 = arith.constant 32 : index
        %get3A_161 = tpu.vector_load %arg16[%get3A_159, %get3A_160] {strides = array<i32>} : memref<3x96xi32, #tpu.memory_space<vmem>>, vector<16xi32>,
        tpu.vector_store_idx %arg21[%get3A_161], %broadcast_in_dim3A_23 {add = true} : memref<10112xf32, #tpu.memory_space<vmem>>[vector<16xi32>], vector<16xf32>,
        %get3A_162 = arith.constant 1 : i32
        %get3A_163 = arith.index_cast %get3A_162 : i32 to index
        %get3A_164 = arith.constant 48 : index
        %get3A_165 = tpu.vector_load %arg16[%get3A_163, %get3A_164] {strides = array<i32>} : memref<3x96xi32, #tpu.memory_space<vmem>>, vector<16xi32>,
        tpu.vector_store_idx %arg21[%get3A_165], %broadcast_in_dim3A_23 {add = true} : memref<10112xf32, #tpu.memory_space<vmem>>[vector<16xi32>], vector<16xf32>,
        %get3A_166 = arith.constant 1 : i32
        %get3A_167 = arith.index_cast %get3A_166 : i32 to index
        %get3A_168 = arith.constant 64 : index
        %get3A_169 = tpu.vector_load %arg16[%get3A_167, %get3A_168] {strides = array<i32>} : memref<3x96xi32, #tpu.memory_space<vmem>>, vector<16xi32>,
        tpu.vector_store_idx %arg21[%get3A_169], %broadcast_in_dim3A_23 {add = true} : memref<10112xf32, #tpu.memory_space<vmem>>[vector<16xi32>], vector<16xf32>,
        %get3A_170 = arith.constant 1 : i32
        %get3A_171 = arith.index_cast %get3A_170 : i32 to index
        %get3A_172 = arith.constant 80 : index
        %get3A_173 = tpu.vector_load %arg16[%get3A_171, %get3A_172] {strides = array<i32>} : memref<3x96xi32, #tpu.memory_space<vmem>>, vector<16xi32>,
        tpu.vector_store_idx %arg21[%get3A_173], %broadcast_in_dim3A_23 {add = true} : memref<10112xf32, #tpu.memory_space<vmem>>[vector<16xi32>], vector<16xf32>,
        %get3A_174 = arith.constant 2 : i32
        %get3A_175 = arith.index_cast %get3A_174 : i32 to index
        %get3A_176 = arith.constant 0 : index
        %get3A_177 = tpu.vector_load %arg16[%get3A_175, %get3A_176] {strides = array<i32>} : memref<3x96xi32, #tpu.memory_space<vmem>>, vector<16xi32>,
        tpu.vector_store_idx %arg21[%get3A_177], %broadcast_in_dim3A_23 {add = true} : memref<10112xf32, #tpu.memory_space<vmem>>[vector<16xi32>], vector<16xf32>,
        %get3A_178 = arith.constant 2 : i32
        %get3A_179 = arith.index_cast %get3A_178 : i32 to index
        %get3A_180 = arith.constant 16 : index
        %get3A_181 = tpu.vector_load %arg16[%get3A_179, %get3A_180] {strides = array<i32>} : memref<3x96xi32, #tpu.memory_space<vmem>>, vector<16xi32>,
        tpu.vector_store_idx %arg21[%get3A_181], %broadcast_in_dim3A_23 {add = true} : memref<10112xf32, #tpu.memory_space<vmem>>[vector<16xi32>], vector<16xf32>,
        %get3A_182 = arith.constant 2 : i32
        %get3A_183 = arith.index_cast %get3A_182 : i32 to index
        %get3A_184 = arith.constant 32 : index
        %get3A_185 = tpu.vector_load %arg16[%get3A_183, %get3A_184] {strides = array<i32>} : memref<3x96xi32, #tpu.memory_space<vmem>>, vector<16xi32>,
        tpu.vector_store_idx %arg21[%get3A_185], %broadcast_in_dim3A_23 {add = true} : memref<10112xf32, #tpu.memory_space<vmem>>[vector<16xi32>], vector<16xf32>,
        %get3A_186 = arith.constant 2 : i32
        %get3A_187 = arith.index_cast %get3A_186 : i32 to index
        %get3A_188 = arith.constant 48 : index
        %get3A_189 = tpu.vector_load %arg16[%get3A_187, %get3A_188] {strides = array<i32>} : memref<3x96xi32, #tpu.memory_space<vmem>>, vector<16xi32>,
        tpu.vector_store_idx %arg21[%get3A_189], %broadcast_in_dim3A_23 {add = true} : memref<10112xf32, #tpu.memory_space<vmem>>[vector<16xi32>], vector<16xf32>,
        %get3A_190 = arith.constant 2 : i32
        %get3A_191 = arith.index_cast %get3A_190 : i32 to index
        %get3A_192 = arith.constant 64 : index
        %get3A_193 = tpu.vector_load %arg16[%get3A_191, %get3A_192] {strides = array<i32>} : memref<3x96xi32, #tpu.memory_space<vmem>>, vector<16xi32>,
        tpu.vector_store_idx %arg21[%get3A_193], %broadcast_in_dim3A_23 {add = true} : memref<10112xf32, #tpu.memory_space<vmem>>[vector<16xi32>], vector<16xf32>,
        %get3A_194 = arith.constant 2 : i32
        %get3A_195 = arith.index_cast %get3A_194 : i32 to index
        %get3A_196 = arith.constant 80 : index
        %get3A_197 = tpu.vector_load %arg16[%get3A_195, %get3A_196] {strides = array<i32>} : memref<3x96xi32, #tpu.memory_space<vmem>>, vector<16xi32>,
        tpu.vector_store_idx %arg21[%get3A_197], %broadcast_in_dim3A_23 {add = true} : memref<10112xf32, #tpu.memory_space<vmem>>[vector<16xi32>], vector<16xf32>,
        %dma_wait3A_198 = arith.constant 0 : i32
        %dma_wait3A_199 = arith.constant 0 : i32
        %dma_wait3A_200 = tpu.memref_slice %arg14[%dma_wait3A_198, %dma_wait3A_199] : memref<3x96xi32, #tpu.memory_space<vmem>> -> memref<1x96xi32, #tpu.memory_space<vmem>>
        %dma_wait3A_201 = tpu.memref_squeeze %dma_wait3A_200 : memref<1x96xi32, #tpu.memory_space<vmem>> -> memref<96xi32, #tpu.memory_space<vmem>>
        %dma_wait3A_202 = arith.constant 0 : i32
        %dma_wait3A_203 = arith.constant 0 : i32
        %dma_wait3A_204 = tpu.memref_slice %arg2[%dma_wait3A_202, %dma_wait3A_203] : memref<10000x128xf32, #tpu.memory_space<hbm>> -> memref<10000x128xf32, #tpu.memory_space<hbm>>
        tpu.wait_indirect_dma semaphore(%arg23 : memref<!tpu.dma_semaphore, #tpu.memory_space<semaphore_mem>>) src(%dma_wait3A_204 : memref<10000x128xf32, #tpu.memory_space<hbm>>) dst(%arg18 : memref<96x128xf32, #tpu.memory_space<vmem>>)
        %dma_start3A_205 = arith.constant 0 : i32
        %dma_start3A_206 = arith.constant 0 : i32
        %dma_start3A_207 = tpu.memref_slice %arg16[%dma_start3A_205, %dma_start3A_206] : memref<3x96xi32, #tpu.memory_space<vmem>> -> memref<1x96xi32, #tpu.memory_space<vmem>>
        %dma_start3A_208 = tpu.memref_squeeze %dma_start3A_207 : memref<1x96xi32, #tpu.memory_space<vmem>> -> memref<96xi32, #tpu.memory_space<vmem>>
        %dma_start3A_209 = arith.constant 0 : i32
        %dma_start3A_210 = arith.constant 0 : i32
        %dma_start3A_211 = tpu.memref_slice %arg22[%dma_start3A_209, %dma_start3A_210] : memref<10112x128xf32, #tpu.memory_space<vmem_shared>> -> memref<10112x128xf32, #tpu.memory_space<vmem_shared>>
        tpu.enqueue_indirect_dma source(%arg18 : memref<96x128xf32, #tpu.memory_space<vmem>>) target(%dma_start3A_211 : memref<10112x128xf32, #tpu.memory_space<vmem_shared>>) offsets(%dma_start3A_208 : memref<96xi32, #tpu.memory_space<vmem>>) semaphore(%arg26 : memref<!tpu.dma_semaphore, #tpu.memory_space<semaphore_mem>>) {add = true}
        %dma_wait3A_212 = arith.constant 1 : i32
        %dma_wait3A_213 = arith.constant 0 : i32
        %dma_wait3A_214 = tpu.memref_slice %arg14[%dma_wait3A_212, %dma_wait3A_213] : memref<3x96xi32, #tpu.memory_space<vmem>> -> memref<1x96xi32, #tpu.memory_space<vmem>>
        %dma_wait3A_215 = tpu.memref_squeeze %dma_wait3A_214 : memref<1x96xi32, #tpu.memory_space<vmem>> -> memref<96xi32, #tpu.memory_space<vmem>>
        %dma_wait3A_216 = arith.constant 0 : i32
        %dma_wait3A_217 = arith.constant 0 : i32
        %dma_wait3A_218 = tpu.memref_slice %arg2[%dma_wait3A_216, %dma_wait3A_217] : memref<10000x128xf32, #tpu.memory_space<hbm>> -> memref<10000x128xf32, #tpu.memory_space<hbm>>
        tpu.wait_indirect_dma semaphore(%arg24 : memref<!tpu.dma_semaphore, #tpu.memory_space<semaphore_mem>>) src(%dma_wait3A_218 : memref<10000x128xf32, #tpu.memory_space<hbm>>) dst(%arg19 : memref<96x128xf32, #tpu.memory_space<vmem>>)
        %dma_start3A_219 = arith.constant 1 : i32
        %dma_start3A_220 = arith.constant 0 : i32
        %dma_start3A_221 = tpu.memref_slice %arg16[%dma_start3A_219, %dma_start3A_220] : memref<3x96xi32, #tpu.memory_space<vmem>> -> memref<1x96xi32, #tpu.memory_space<vmem>>
        %dma_start3A_222 = tpu.memref_squeeze %dma_start3A_221 : memref<1x96xi32, #tpu.memory_space<vmem>> -> memref<96xi32, #tpu.memory_space<vmem>>
        %dma_start3A_223 = arith.constant 0 : i32
        %dma_start3A_224 = arith.constant 0 : i32
        %dma_start3A_225 = tpu.memref_slice %arg22[%dma_start3A_223, %dma_start3A_224] : memref<10112x128xf32, #tpu.memory_space<vmem_shared>> -> memref<10112x128xf32, #tpu.memory_space<vmem_shared>>
        tpu.enqueue_indirect_dma source(%arg19 : memref<96x128xf32, #tpu.memory_space<vmem>>) target(%dma_start3A_225 : memref<10112x128xf32, #tpu.memory_space<vmem_shared>>) offsets(%dma_start3A_222 : memref<96xi32, #tpu.memory_space<vmem>>) semaphore(%arg27 : memref<!tpu.dma_semaphore, #tpu.memory_space<semaphore_mem>>) {add = true}
        %dma_wait3A_226 = arith.constant 2 : i32
        %dma_wait3A_227 = arith.constant 0 : i32
        %dma_wait3A_228 = tpu.memref_slice %arg14[%dma_wait3A_226, %dma_wait3A_227] : memref<3x96xi32, #tpu.memory_space<vmem>> -> memref<1x96xi32, #tpu.memory_space<vmem>>
        %dma_wait3A_229 = tpu.memref_squeeze %dma_wait3A_228 : memref<1x96xi32, #tpu.memory_space<vmem>> -> memref<96xi32, #tpu.memory_space<vmem>>
        %dma_wait3A_230 = arith.constant 0 : i32
        %dma_wait3A_231 = arith.constant 0 : i32
        %dma_wait3A_232 = tpu.memref_slice %arg2[%dma_wait3A_230, %dma_wait3A_231] : memref<10000x128xf32, #tpu.memory_space<hbm>> -> memref<10000x128xf32, #tpu.memory_space<hbm>>
        tpu.wait_indirect_dma semaphore(%arg25 : memref<!tpu.dma_semaphore, #tpu.memory_space<semaphore_mem>>) src(%dma_wait3A_232 : memref<10000x128xf32, #tpu.memory_space<hbm>>) dst(%arg20 : memref<96x128xf32, #tpu.memory_space<vmem>>)
        %dma_start3A_233 = arith.constant 2 : i32
        %dma_start3A_234 = arith.constant 0 : i32
        %dma_start3A_235 = tpu.memref_slice %arg16[%dma_start3A_233, %dma_start3A_234] : memref<3x96xi32, #tpu.memory_space<vmem>> -> memref<1x96xi32, #tpu.memory_space<vmem>>
        %dma_start3A_236 = tpu.memref_squeeze %dma_start3A_235 : memref<1x96xi32, #tpu.memory_space<vmem>> -> memref<96xi32, #tpu.memory_space<vmem>>
        %dma_start3A_237 = arith.constant 0 : i32
        %dma_start3A_238 = arith.constant 0 : i32
        %dma_start3A_239 = tpu.memref_slice %arg22[%dma_start3A_237, %dma_start3A_238] : memref<10112x128xf32, #tpu.memory_space<vmem_shared>> -> memref<10112x128xf32, #tpu.memory_space<vmem_shared>>
        tpu.enqueue_indirect_dma source(%arg20 : memref<96x128xf32, #tpu.memory_space<vmem>>) target(%dma_start3A_239 : memref<10112x128xf32, #tpu.memory_space<vmem_shared>>) offsets(%dma_start3A_236 : memref<96xi32, #tpu.memory_space<vmem>>) semaphore(%arg28 : memref<!tpu.dma_semaphore, #tpu.memory_space<semaphore_mem>>) {add = true}
        %mul3A_240 = arith.constant 2 : i32
        %mul3A_241 = arith.muli %mul3A_240, %scan3A_65 : i32
        %add3A_242 = arith.constant 1 : i32
        %add3A_243 = arith.addi %mul3A_241, %add3A_242 : i32
        %dma_wait3A_244 = arith.constant 0 : i32
        %dma_wait3A_245 = arith.constant 0 : i32
        %dma_wait3A_246 = tpu.memref_slice %arg4[%dma_wait3A_244, %dma_wait3A_245] : memref<3363x96xi32, #tpu.memory_space<hbm>> -> memref<3x96xi32, #tpu.memory_space<hbm>>
        %dma_wait3A_247 = arith.constant 0 : i32
        %dma_wait3A_248 = arith.constant 0 : i32
        %dma_wait3A_249 = tpu.memref_slice %arg4[%dma_wait3A_247, %dma_wait3A_248] : memref<3363x96xi32, #tpu.memory_space<hbm>> -> memref<3x96xi32, #tpu.memory_space<hbm>>
        tpu.wait_dma2 semaphore(%arg30 : memref<!tpu.dma_semaphore, #tpu.memory_space<semaphore_mem>>) src(%dma_wait3A_249 : memref<3x96xi32, #tpu.memory_space<hbm>>) dst(%arg15 : memref<3x96xi32, #tpu.memory_space<vmem>>)
        %dma_wait3A_250 = arith.constant 0 : i32
        %dma_wait3A_251 = arith.constant 0 : i32
        %dma_wait3A_252 = tpu.memref_slice %arg4[%dma_wait3A_250, %dma_wait3A_251] : memref<3363x96xi32, #tpu.memory_space<hbm>> -> memref<3x96xi32, #tpu.memory_space<hbm>>
        %dma_wait3A_253 = arith.constant 0 : i32
        %dma_wait3A_254 = arith.constant 0 : i32
        %dma_wait3A_255 = tpu.memref_slice %arg4[%dma_wait3A_253, %dma_wait3A_254] : memref<3363x96xi32, #tpu.memory_space<hbm>> -> memref<3x96xi32, #tpu.memory_space<hbm>>
        tpu.wait_dma2 semaphore(%arg30 : memref<!tpu.dma_semaphore, #tpu.memory_space<semaphore_mem>>) src(%dma_wait3A_255 : memref<3x96xi32, #tpu.memory_space<hbm>>) dst(%arg17 : memref<3x96xi32, #tpu.memory_space<vmem>>)
        %dma_wait3A_256 = arith.constant 0 : i32
        %dma_wait3A_257 = arith.constant 0 : i32
        %dma_wait3A_258 = tpu.memref_slice %arg2[%dma_wait3A_256, %dma_wait3A_257] : memref<10000x128xf32, #tpu.memory_space<hbm>> -> memref<96x128xf32, #tpu.memory_space<hbm>>
        %dma_wait3A_259 = arith.constant 0 : i32
        %dma_wait3A_260 = arith.constant 0 : i32
        %dma_wait3A_261 = tpu.memref_slice %arg2[%dma_wait3A_259, %dma_wait3A_260] : memref<10000x128xf32, #tpu.memory_space<hbm>> -> memref<96x128xf32, #tpu.memory_space<hbm>>
        tpu.wait_dma2 semaphore(%arg26 : memref<!tpu.dma_semaphore, #tpu.memory_space<semaphore_mem>>) src(%dma_wait3A_261 : memref<96x128xf32, #tpu.memory_space<hbm>>) dst(%arg18 : memref<96x128xf32, #tpu.memory_space<vmem>>)
        %dma_start3A_262 = arith.constant 0 : i32
        %dma_start3A_263 = arith.constant 0 : i32
        %dma_start3A_264 = tpu.memref_slice %arg15[%dma_start3A_262, %dma_start3A_263] : memref<3x96xi32, #tpu.memory_space<vmem>> -> memref<1x96xi32, #tpu.memory_space<vmem>>
        %dma_start3A_265 = tpu.memref_squeeze %dma_start3A_264 : memref<1x96xi32, #tpu.memory_space<vmem>> -> memref<96xi32, #tpu.memory_space<vmem>>
        %dma_start3A_266 = arith.constant 0 : i32
        %dma_start3A_267 = arith.constant 0 : i32
        %dma_start3A_268 = tpu.memref_slice %arg2[%dma_start3A_266, %dma_start3A_267] : memref<10000x128xf32, #tpu.memory_space<hbm>> -> memref<10000x128xf32, #tpu.memory_space<hbm>>
        tpu.enqueue_indirect_dma source(%dma_start3A_268 : memref<10000x128xf32, #tpu.memory_space<hbm>>) target(%arg18 : memref<96x128xf32, #tpu.memory_space<vmem>>) offsets(%dma_start3A_265 : memref<96xi32, #tpu.memory_space<vmem>>) semaphore(%arg23 : memref<!tpu.dma_semaphore, #tpu.memory_space<semaphore_mem>>)
        %dma_wait3A_269 = arith.constant 0 : i32
        %dma_wait3A_270 = arith.constant 0 : i32
        %dma_wait3A_271 = tpu.memref_slice %arg2[%dma_wait3A_269, %dma_wait3A_270] : memref<10000x128xf32, #tpu.memory_space<hbm>> -> memref<96x128xf32, #tpu.memory_space<hbm>>
        %dma_wait3A_272 = arith.constant 0 : i32
        %dma_wait3A_273 = arith.constant 0 : i32
        %dma_wait3A_274 = tpu.memref_slice %arg2[%dma_wait3A_272, %dma_wait3A_273] : memref<10000x128xf32, #tpu.memory_space<hbm>> -> memref<96x128xf32, #tpu.memory_space<hbm>>
        tpu.wait_dma2 semaphore(%arg27 : memref<!tpu.dma_semaphore, #tpu.memory_space<semaphore_mem>>) src(%dma_wait3A_274 : memref<96x128xf32, #tpu.memory_space<hbm>>) dst(%arg19 : memref<96x128xf32, #tpu.memory_space<vmem>>)
        %dma_start3A_275 = arith.constant 1 : i32
        %dma_start3A_276 = arith.constant 0 : i32
        %dma_start3A_277 = tpu.memref_slice %arg15[%dma_start3A_275, %dma_start3A_276] : memref<3x96xi32, #tpu.memory_space<vmem>> -> memref<1x96xi32, #tpu.memory_space<vmem>>
        %dma_start3A_278 = tpu.memref_squeeze %dma_start3A_277 : memref<1x96xi32, #tpu.memory_space<vmem>> -> memref<96xi32, #tpu.memory_space<vmem>>
        %dma_start3A_279 = arith.constant 0 : i32
        %dma_start3A_280 = arith.constant 0 : i32
        %dma_start3A_281 = tpu.memref_slice %arg2[%dma_start3A_279, %dma_start3A_280] : memref<10000x128xf32, #tpu.memory_space<hbm>> -> memref<10000x128xf32, #tpu.memory_space<hbm>>
        tpu.enqueue_indirect_dma source(%dma_start3A_281 : memref<10000x128xf32, #tpu.memory_space<hbm>>) target(%arg19 : memref<96x128xf32, #tpu.memory_space<vmem>>) offsets(%dma_start3A_278 : memref<96xi32, #tpu.memory_space<vmem>>) semaphore(%arg24 : memref<!tpu.dma_semaphore, #tpu.memory_space<semaphore_mem>>)
        %dma_wait3A_282 = arith.constant 0 : i32
        %dma_wait3A_283 = arith.constant 0 : i32
        %dma_wait3A_284 = tpu.memref_slice %arg2[%dma_wait3A_282, %dma_wait3A_283] : memref<10000x128xf32, #tpu.memory_space<hbm>> -> memref<96x128xf32, #tpu.memory_space<hbm>>
        %dma_wait3A_285 = arith.constant 0 : i32
        %dma_wait3A_286 = arith.constant 0 : i32
        %dma_wait3A_287 = tpu.memref_slice %arg2[%dma_wait3A_285, %dma_wait3A_286] : memref<10000x128xf32, #tpu.memory_space<hbm>> -> memref<96x128xf32, #tpu.memory_space<hbm>>
        tpu.wait_dma2 semaphore(%arg28 : memref<!tpu.dma_semaphore, #tpu.memory_space<semaphore_mem>>) src(%dma_wait3A_287 : memref<96x128xf32, #tpu.memory_space<hbm>>) dst(%arg20 : memref<96x128xf32, #tpu.memory_space<vmem>>)
        %add3A_288 = arith.constant 1 : i32
        %add3A_289 = arith.addi %add3A_243, %add3A_288 : i32
        %mul3A_290 = arith.constant 3 : i32
        %mul3A_291 = arith.muli %add3A_289, %mul3A_290 : i32
        %add3A_292 = arith.addi %mul3A_22, %mul3A_291 : i32
        %dma_start3A_293 = arith.constant 0 : i32
        %dma_start3A_294 = tpu.memref_slice %arg4[%add3A_292, %dma_start3A_293] : memref<3363x96xi32, #tpu.memory_space<hbm>> -> memref<3x96xi32, #tpu.memory_space<hbm>>
        %dma_start3A_295 = arith.constant 0 : i32
        %dma_start3A_296 = tpu.memref_slice %arg4[%add3A_292, %dma_start3A_295] : memref<3363x96xi32, #tpu.memory_space<hbm>> -> memref<3x96xi32, #tpu.memory_space<hbm>>
        tpu.enqueue_dma source(%dma_start3A_296 : memref<3x96xi32, #tpu.memory_space<hbm>>) target(%arg14 : memref<3x96xi32, #tpu.memory_space<vmem>>) target_semaphore(%arg29 : memref<!tpu.dma_semaphore, #tpu.memory_space<semaphore_mem>>)
        %dma_start3A_297 = arith.constant 0 : i32
        %dma_start3A_298 = tpu.memref_slice %arg5[%add3A_292, %dma_start3A_297] : memref<3363x96xi32, #tpu.memory_space<hbm>> -> memref<3x96xi32, #tpu.memory_space<hbm>>
        %dma_start3A_299 = arith.constant 0 : i32
        %dma_start3A_300 = tpu.memref_slice %arg5[%add3A_292, %dma_start3A_299] : memref<3363x96xi32, #tpu.memory_space<hbm>> -> memref<3x96xi32, #tpu.memory_space<hbm>>
        tpu.enqueue_dma source(%dma_start3A_300 : memref<3x96xi32, #tpu.memory_space<hbm>>) target(%arg16 : memref<3x96xi32, #tpu.memory_space<vmem>>) target_semaphore(%arg29 : memref<!tpu.dma_semaphore, #tpu.memory_space<semaphore_mem>>)
        %dma_start3A_301 = arith.constant 2 : i32
        %dma_start3A_302 = arith.constant 0 : i32
        %dma_start3A_303 = tpu.memref_slice %arg15[%dma_start3A_301, %dma_start3A_302] : memref<3x96xi32, #tpu.memory_space<vmem>> -> memref<1x96xi32, #tpu.memory_space<vmem>>
        %dma_start3A_304 = tpu.memref_squeeze %dma_start3A_303 : memref<1x96xi32, #tpu.memory_space<vmem>> -> memref<96xi32, #tpu.memory_space<vmem>>
        %dma_start3A_305 = arith.constant 0 : i32
        %dma_start3A_306 = arith.constant 0 : i32
        %dma_start3A_307 = tpu.memref_slice %arg2[%dma_start3A_305, %dma_start3A_306] : memref<10000x128xf32, #tpu.memory_space<hbm>> -> memref<10000x128xf32, #tpu.memory_space<hbm>>
        tpu.enqueue_indirect_dma source(%dma_start3A_307 : memref<10000x128xf32, #tpu.memory_space<hbm>>) target(%arg20 : memref<96x128xf32, #tpu.memory_space<vmem>>) offsets(%dma_start3A_304 : memref<96xi32, #tpu.memory_space<vmem>>) semaphore(%arg25 : memref<!tpu.dma_semaphore, #tpu.memory_space<semaphore_mem>>)
        %get3A_308 = arith.constant 0 : i32
        %get3A_309 = arith.index_cast %get3A_308 : i32 to index
        %get3A_310 = arith.constant 0 : index
        %get3A_311 = tpu.vector_load %arg17[%get3A_309, %get3A_310] {strides = array<i32>} : memref<3x96xi32, #tpu.memory_space<vmem>>, vector<16xi32>,
        tpu.vector_store_idx %arg21[%get3A_311], %broadcast_in_dim3A_23 {add = true} : memref<10112xf32, #tpu.memory_space<vmem>>[vector<16xi32>], vector<16xf32>,
        %get3A_312 = arith.constant 0 : i32
        %get3A_313 = arith.index_cast %get3A_312 : i32 to index
        %get3A_314 = arith.constant 16 : index
        %get3A_315 = tpu.vector_load %arg17[%get3A_313, %get3A_314] {strides = array<i32>} : memref<3x96xi32, #tpu.memory_space<vmem>>, vector<16xi32>,
        tpu.vector_store_idx %arg21[%get3A_315], %broadcast_in_dim3A_23 {add = true} : memref<10112xf32, #tpu.memory_space<vmem>>[vector<16xi32>], vector<16xf32>,
        %get3A_316 = arith.constant 0 : i32
        %get3A_317 = arith.index_cast %get3A_316 : i32 to index
        %get3A_318 = arith.constant 32 : index
        %get3A_319 = tpu.vector_load %arg17[%get3A_317, %get3A_318] {strides = array<i32>} : memref<3x96xi32, #tpu.memory_space<vmem>>, vector<16xi32>,
        tpu.vector_store_idx %arg21[%get3A_319], %broadcast_in_dim3A_23 {add = true} : memref<10112xf32, #tpu.memory_space<vmem>>[vector<16xi32>], vector<16xf32>,
        %get3A_320 = arith.constant 0 : i32
        %get3A_321 = arith.index_cast %get3A_320 : i32 to index
        %get3A_322 = arith.constant 48 : index
        %get3A_323 = tpu.vector_load %arg17[%get3A_321, %get3A_322] {strides = array<i32>} : memref<3x96xi32, #tpu.memory_space<vmem>>, vector<16xi32>,
        tpu.vector_store_idx %arg21[%get3A_323], %broadcast_in_dim3A_23 {add = true} : memref<10112xf32, #tpu.memory_space<vmem>>[vector<16xi32>], vector<16xf32>,
        %get3A_324 = arith.constant 0 : i32
        %get3A_325 = arith.index_cast %get3A_324 : i32 to index
        %get3A_326 = arith.constant 64 : index
        %get3A_327 = tpu.vector_load %arg17[%get3A_325, %get3A_326] {strides = array<i32>} : memref<3x96xi32, #tpu.memory_space<vmem>>, vector<16xi32>,
        tpu.vector_store_idx %arg21[%get3A_327], %broadcast_in_dim3A_23 {add = true} : memref<10112xf32, #tpu.memory_space<vmem>>[vector<16xi32>], vector<16xf32>,
        %get3A_328 = arith.constant 0 : i32
        %get3A_329 = arith.index_cast %get3A_328 : i32 to index
        %get3A_330 = arith.constant 80 : index
        %get3A_331 = tpu.vector_load %arg17[%get3A_329, %get3A_330] {strides = array<i32>} : memref<3x96xi32, #tpu.memory_space<vmem>>, vector<16xi32>,
        tpu.vector_store_idx %arg21[%get3A_331], %broadcast_in_dim3A_23 {add = true} : memref<10112xf32, #tpu.memory_space<vmem>>[vector<16xi32>], vector<16xf32>,
        %get3A_332 = arith.constant 1 : i32
        %get3A_333 = arith.index_cast %get3A_332 : i32 to index
        %get3A_334 = arith.constant 0 : index
        %get3A_335 = tpu.vector_load %arg17[%get3A_333, %get3A_334] {strides = array<i32>} : memref<3x96xi32, #tpu.memory_space<vmem>>, vector<16xi32>,
        tpu.vector_store_idx %arg21[%get3A_335], %broadcast_in_dim3A_23 {add = true} : memref<10112xf32, #tpu.memory_space<vmem>>[vector<16xi32>], vector<16xf32>,
        %get3A_336 = arith.constant 1 : i32
        %get3A_337 = arith.index_cast %get3A_336 : i32 to index
        %get3A_338 = arith.constant 16 : index
        %get3A_339 = tpu.vector_load %arg17[%get3A_337, %get3A_338] {strides = array<i32>} : memref<3x96xi32, #tpu.memory_space<vmem>>, vector<16xi32>,
        tpu.vector_store_idx %arg21[%get3A_339], %broadcast_in_dim3A_23 {add = true} : memref<10112xf32, #tpu.memory_space<vmem>>[vector<16xi32>], vector<16xf32>,
        %get3A_340 = arith.constant 1 : i32
        %get3A_341 = arith.index_cast %get3A_340 : i32 to index
        %get3A_342 = arith.constant 32 : index
        %get3A_343 = tpu.vector_load %arg17[%get3A_341, %get3A_342] {strides = array<i32>} : memref<3x96xi32, #tpu.memory_space<vmem>>, vector<16xi32>,
        tpu.vector_store_idx %arg21[%get3A_343], %broadcast_in_dim3A_23 {add = true} : memref<10112xf32, #tpu.memory_space<vmem>>[vector<16xi32>], vector<16xf32>,
        %get3A_344 = arith.constant 1 : i32
        %get3A_345 = arith.index_cast %get3A_344 : i32 to index
        %get3A_346 = arith.constant 48 : index
        %get3A_347 = tpu.vector_load %arg17[%get3A_345, %get3A_346] {strides = array<i32>} : memref<3x96xi32, #tpu.memory_space<vmem>>, vector<16xi32>,
        tpu.vector_store_idx %arg21[%get3A_347], %broadcast_in_dim3A_23 {add = true} : memref<10112xf32, #tpu.memory_space<vmem>>[vector<16xi32>], vector<16xf32>,
        %get3A_348 = arith.constant 1 : i32
        %get3A_349 = arith.index_cast %get3A_348 : i32 to index
        %get3A_350 = arith.constant 64 : index
        %get3A_351 = tpu.vector_load %arg17[%get3A_349, %get3A_350] {strides = array<i32>} : memref<3x96xi32, #tpu.memory_space<vmem>>, vector<16xi32>,
        tpu.vector_store_idx %arg21[%get3A_351], %broadcast_in_dim3A_23 {add = true} : memref<10112xf32, #tpu.memory_space<vmem>>[vector<16xi32>], vector<16xf32>,
        %get3A_352 = arith.constant 1 : i32
        %get3A_353 = arith.index_cast %get3A_352 : i32 to index
        %get3A_354 = arith.constant 80 : index
        %get3A_355 = tpu.vector_load %arg17[%get3A_353, %get3A_354] {strides = array<i32>} : memref<3x96xi32, #tpu.memory_space<vmem>>, vector<16xi32>,
        tpu.vector_store_idx %arg21[%get3A_355], %broadcast_in_dim3A_23 {add = true} : memref<10112xf32, #tpu.memory_space<vmem>>[vector<16xi32>], vector<16xf32>,
        %get3A_356 = arith.constant 2 : i32
        %get3A_357 = arith.index_cast %get3A_356 : i32 to index
        %get3A_358 = arith.constant 0 : index
        %get3A_359 = tpu.vector_load %arg17[%get3A_357, %get3A_358] {strides = array<i32>} : memref<3x96xi32, #tpu.memory_space<vmem>>, vector<16xi32>,
        tpu.vector_store_idx %arg21[%get3A_359], %broadcast_in_dim3A_23 {add = true} : memref<10112xf32, #tpu.memory_space<vmem>>[vector<16xi32>], vector<16xf32>,
        %get3A_360 = arith.constant 2 : i32
        %get3A_361 = arith.index_cast %get3A_360 : i32 to index
        %get3A_362 = arith.constant 16 : index
        %get3A_363 = tpu.vector_load %arg17[%get3A_361, %get3A_362] {strides = array<i32>} : memref<3x96xi32, #tpu.memory_space<vmem>>, vector<16xi32>,
        tpu.vector_store_idx %arg21[%get3A_363], %broadcast_in_dim3A_23 {add = true} : memref<10112xf32, #tpu.memory_space<vmem>>[vector<16xi32>], vector<16xf32>,
        %get3A_364 = arith.constant 2 : i32
        %get3A_365 = arith.index_cast %get3A_364 : i32 to index
        %get3A_366 = arith.constant 32 : index
        %get3A_367 = tpu.vector_load %arg17[%get3A_365, %get3A_366] {strides = array<i32>} : memref<3x96xi32, #tpu.memory_space<vmem>>, vector<16xi32>,
        tpu.vector_store_idx %arg21[%get3A_367], %broadcast_in_dim3A_23 {add = true} : memref<10112xf32, #tpu.memory_space<vmem>>[vector<16xi32>], vector<16xf32>,
        %get3A_368 = arith.constant 2 : i32
        %get3A_369 = arith.index_cast %get3A_368 : i32 to index
        %get3A_370 = arith.constant 48 : index
        %get3A_371 = tpu.vector_load %arg17[%get3A_369, %get3A_370] {strides = array<i32>} : memref<3x96xi32, #tpu.memory_space<vmem>>, vector<16xi32>,
        tpu.vector_store_idx %arg21[%get3A_371], %broadcast_in_dim3A_23 {add = true} : memref<10112xf32, #tpu.memory_space<vmem>>[vector<16xi32>], vector<16xf32>,
        %get3A_372 = arith.constant 2 : i32
        %get3A_373 = arith.index_cast %get3A_372 : i32 to index
        %get3A_374 = arith.constant 64 : index
        %get3A_375 = tpu.vector_load %arg17[%get3A_373, %get3A_374] {strides = array<i32>} : memref<3x96xi32, #tpu.memory_space<vmem>>, vector<16xi32>,
        tpu.vector_store_idx %arg21[%get3A_375], %broadcast_in_dim3A_23 {add = true} : memref<10112xf32, #tpu.memory_space<vmem>>[vector<16xi32>], vector<16xf32>,
        %get3A_376 = arith.constant 2 : i32
        %get3A_377 = arith.index_cast %get3A_376 : i32 to index
        %get3A_378 = arith.constant 80 : index
        %get3A_379 = tpu.vector_load %arg17[%get3A_377, %get3A_378] {strides = array<i32>} : memref<3x96xi32, #tpu.memory_space<vmem>>, vector<16xi32>,
        tpu.vector_store_idx %arg21[%get3A_379], %broadcast_in_dim3A_23 {add = true} : memref<10112xf32, #tpu.memory_space<vmem>>[vector<16xi32>], vector<16xf32>,
        %dma_wait3A_380 = arith.constant 0 : i32
        %dma_wait3A_381 = arith.constant 0 : i32
        %dma_wait3A_382 = tpu.memref_slice %arg15[%dma_wait3A_380, %dma_wait3A_381] : memref<3x96xi32, #tpu.memory_space<vmem>> -> memref<1x96xi32, #tpu.memory_space<vmem>>
        %dma_wait3A_383 = tpu.memref_squeeze %dma_wait3A_382 : memref<1x96xi32, #tpu.memory_space<vmem>> -> memref<96xi32, #tpu.memory_space<vmem>>
        %dma_wait3A_384 = arith.constant 0 : i32
        %dma_wait3A_385 = arith.constant 0 : i32
        %dma_wait3A_386 = tpu.memref_slice %arg2[%dma_wait3A_384, %dma_wait3A_385] : memref<10000x128xf32, #tpu.memory_space<hbm>> -> memref<10000x128xf32, #tpu.memory_space<hbm>>
        tpu.wait_indirect_dma semaphore(%arg23 : memref<!tpu.dma_semaphore, #tpu.memory_space<semaphore_mem>>) src(%dma_wait3A_386 : memref<10000x128xf32, #tpu.memory_space<hbm>>) dst(%arg18 : memref<96x128xf32, #tpu.memory_space<vmem>>)
        %dma_start3A_387 = arith.constant 0 : i32
        %dma_start3A_388 = arith.constant 0 : i32
        %dma_start3A_389 = tpu.memref_slice %arg17[%dma_start3A_387, %dma_start3A_388] : memref<3x96xi32, #tpu.memory_space<vmem>> -> memref<1x96xi32, #tpu.memory_space<vmem>>
        %dma_start3A_390 = tpu.memref_squeeze %dma_start3A_389 : memref<1x96xi32, #tpu.memory_space<vmem>> -> memref<96xi32, #tpu.memory_space<vmem>>
        %dma_start3A_391 = arith.constant 0 : i32
        %dma_start3A_392 = arith.constant 0 : i32
        %dma_start3A_393 = tpu.memref_slice %arg22[%dma_start3A_391, %dma_start3A_392] : memref<10112x128xf32, #tpu.memory_space<vmem_shared>> -> memref<10112x128xf32, #tpu.memory_space<vmem_shared>>
        tpu.enqueue_indirect_dma source(%arg18 : memref<96x128xf32, #tpu.memory_space<vmem>>) target(%dma_start3A_393 : memref<10112x128xf32, #tpu.memory_space<vmem_shared>>) offsets(%dma_start3A_390 : memref<96xi32, #tpu.memory_space<vmem>>) semaphore(%arg26 : memref<!tpu.dma_semaphore, #tpu.memory_space<semaphore_mem>>) {add = true}
        %dma_wait3A_394 = arith.constant 1 : i32
        %dma_wait3A_395 = arith.constant 0 : i32
        %dma_wait3A_396 = tpu.memref_slice %arg15[%dma_wait3A_394, %dma_wait3A_395] : memref<3x96xi32, #tpu.memory_space<vmem>> -> memref<1x96xi32, #tpu.memory_space<vmem>>
        %dma_wait3A_397 = tpu.memref_squeeze %dma_wait3A_396 : memref<1x96xi32, #tpu.memory_space<vmem>> -> memref<96xi32, #tpu.memory_space<vmem>>
        %dma_wait3A_398 = arith.constant 0 : i32
        %dma_wait3A_399 = arith.constant 0 : i32
        %dma_wait3A_400 = tpu.memref_slice %arg2[%dma_wait3A_398, %dma_wait3A_399] : memref<10000x128xf32, #tpu.memory_space<hbm>> -> memref<10000x128xf32, #tpu.memory_space<hbm>>
        tpu.wait_indirect_dma semaphore(%arg24 : memref<!tpu.dma_semaphore, #tpu.memory_space<semaphore_mem>>) src(%dma_wait3A_400 : memref<10000x128xf32, #tpu.memory_space<hbm>>) dst(%arg19 : memref<96x128xf32, #tpu.memory_space<vmem>>)
        %dma_start3A_401 = arith.constant 1 : i32
        %dma_start3A_402 = arith.constant 0 : i32
        %dma_start3A_403 = tpu.memref_slice %arg17[%dma_start3A_401, %dma_start3A_402] : memref<3x96xi32, #tpu.memory_space<vmem>> -> memref<1x96xi32, #tpu.memory_space<vmem>>
        %dma_start3A_404 = tpu.memref_squeeze %dma_start3A_403 : memref<1x96xi32, #tpu.memory_space<vmem>> -> memref<96xi32, #tpu.memory_space<vmem>>
        %dma_start3A_405 = arith.constant 0 : i32
        %dma_start3A_406 = arith.constant 0 : i32
        %dma_start3A_407 = tpu.memref_slice %arg22[%dma_start3A_405, %dma_start3A_406] : memref<10112x128xf32, #tpu.memory_space<vmem_shared>> -> memref<10112x128xf32, #tpu.memory_space<vmem_shared>>
        tpu.enqueue_indirect_dma source(%arg19 : memref<96x128xf32, #tpu.memory_space<vmem>>) target(%dma_start3A_407 : memref<10112x128xf32, #tpu.memory_space<vmem_shared>>) offsets(%dma_start3A_404 : memref<96xi32, #tpu.memory_space<vmem>>) semaphore(%arg27 : memref<!tpu.dma_semaphore, #tpu.memory_space<semaphore_mem>>) {add = true}
        %dma_wait3A_408 = arith.constant 2 : i32
        %dma_wait3A_409 = arith.constant 0 : i32
        %dma_wait3A_410 = tpu.memref_slice %arg15[%dma_wait3A_408, %dma_wait3A_409] : memref<3x96xi32, #tpu.memory_space<vmem>> -> memref<1x96xi32, #tpu.memory_space<vmem>>
        %dma_wait3A_411 = tpu.memref_squeeze %dma_wait3A_410 : memref<1x96xi32, #tpu.memory_space<vmem>> -> memref<96xi32, #tpu.memory_space<vmem>>
        %dma_wait3A_412 = arith.constant 0 : i32
        %dma_wait3A_413 = arith.constant 0 : i32
        %dma_wait3A_414 = tpu.memref_slice %arg2[%dma_wait3A_412, %dma_wait3A_413] : memref<10000x128xf32, #tpu.memory_space<hbm>> -> memref<10000x128xf32, #tpu.memory_space<hbm>>
        tpu.wait_indirect_dma semaphore(%arg25 : memref<!tpu.dma_semaphore, #tpu.memory_space<semaphore_mem>>) src(%dma_wait3A_414 : memref<10000x128xf32, #tpu.memory_space<hbm>>) dst(%arg20 : memref<96x128xf32, #tpu.memory_space<vmem>>)
        %dma_start3A_415 = arith.constant 2 : i32
        %dma_start3A_416 = arith.constant 0 : i32
        %dma_start3A_417 = tpu.memref_slice %arg17[%dma_start3A_415, %dma_start3A_416] : memref<3x96xi32, #tpu.memory_space<vmem>> -> memref<1x96xi32, #tpu.memory_space<vmem>>
        %dma_start3A_418 = tpu.memref_squeeze %dma_start3A_417 : memref<1x96xi32, #tpu.memory_space<vmem>> -> memref<96xi32, #tpu.memory_space<vmem>>
        %dma_start3A_419 = arith.constant 0 : i32
        %dma_start3A_420 = arith.constant 0 : i32
        %dma_start3A_421 = tpu.memref_slice %arg22[%dma_start3A_419, %dma_start3A_420] : memref<10112x128xf32, #tpu.memory_space<vmem_shared>> -> memref<10112x128xf32, #tpu.memory_space<vmem_shared>>
        tpu.enqueue_indirect_dma source(%arg20 : memref<96x128xf32, #tpu.memory_space<vmem>>) target(%dma_start3A_421 : memref<10112x128xf32, #tpu.memory_space<vmem_shared>>) offsets(%dma_start3A_418 : memref<96xi32, #tpu.memory_space<vmem>>) semaphore(%arg28 : memref<!tpu.dma_semaphore, #tpu.memory_space<semaphore_mem>>) {add = true}
      }
      %scan3A_35 = arith.constant 35 : i32
      %dma_wait3A = arith.constant 0 : i32
      %dma_wait3A_36 = arith.constant 0 : i32
      %dma_wait3A_37 = tpu.memref_slice %arg4[%dma_wait3A, %dma_wait3A_36] : memref<3363x96xi32, #tpu.memory_space<hbm>> -> memref<3x96xi32, #tpu.memory_space<hbm>>
      %dma_wait3A_38 = arith.constant 0 : i32
      %dma_wait3A_39 = arith.constant 0 : i32
      %dma_wait3A_40 = tpu.memref_slice %arg4[%dma_wait3A_38, %dma_wait3A_39] : memref<3363x96xi32, #tpu.memory_space<hbm>> -> memref<3x96xi32, #tpu.memory_space<hbm>>
      tpu.wait_dma2 semaphore(%arg29 : memref<!tpu.dma_semaphore, #tpu.memory_space<semaphore_mem>>) src(%dma_wait3A_40 : memref<3x96xi32, #tpu.memory_space<hbm>>) dst(%arg14 : memref<3x96xi32, #tpu.memory_space<vmem>>)
      %dma_wait3A_41 = arith.constant 0 : i32
      %dma_wait3A_42 = arith.constant 0 : i32
      %dma_wait3A_43 = tpu.memref_slice %arg4[%dma_wait3A_41, %dma_wait3A_42] : memref<3363x96xi32, #tpu.memory_space<hbm>> -> memref<3x96xi32, #tpu.memory_space<hbm>>
      %dma_wait3A_44 = arith.constant 0 : i32
      %dma_wait3A_45 = arith.constant 0 : i32
      %dma_wait3A_46 = tpu.memref_slice %arg4[%dma_wait3A_44, %dma_wait3A_45] : memref<3363x96xi32, #tpu.memory_space<hbm>> -> memref<3x96xi32, #tpu.memory_space<hbm>>
      tpu.wait_dma2 semaphore(%arg29 : memref<!tpu.dma_semaphore, #tpu.memory_space<semaphore_mem>>) src(%dma_wait3A_46 : memref<3x96xi32, #tpu.memory_space<hbm>>) dst(%arg16 : memref<3x96xi32, #tpu.memory_space<vmem>>)
      %dma_wait3A_47 = arith.constant 0 : i32
      %dma_wait3A_48 = arith.constant 0 : i32
      %dma_wait3A_49 = tpu.memref_slice %arg2[%dma_wait3A_47, %dma_wait3A_48] : memref<10000x128xf32, #tpu.memory_space<hbm>> -> memref<96x128xf32, #tpu.memory_space<hbm>>
      %dma_wait3A_50 = arith.constant 0 : i32
      %dma_wait3A_51 = arith.constant 0 : i32
      %dma_wait3A_52 = tpu.memref_slice %arg2[%dma_wait3A_50, %dma_wait3A_51] : memref<10000x128xf32, #tpu.memory_space<hbm>> -> memref<96x128xf32, #tpu.memory_space<hbm>>
      tpu.wait_dma2 semaphore(%arg26 : memref<!tpu.dma_semaphore, #tpu.memory_space<semaphore_mem>>) src(%dma_wait3A_52 : memref<96x128xf32, #tpu.memory_space<hbm>>) dst(%arg18 : memref<96x128xf32, #tpu.memory_space<vmem>>)
      %dma_wait3A_53 = arith.constant 0 : i32
      %dma_wait3A_54 = arith.constant 0 : i32
      %dma_wait3A_55 = tpu.memref_slice %arg2[%dma_wait3A_53, %dma_wait3A_54] : memref<10000x128xf32, #tpu.memory_space<hbm>> -> memref<96x128xf32, #tpu.memory_space<hbm>>
      %dma_wait3A_56 = arith.constant 0 : i32
      %dma_wait3A_57 = arith.constant 0 : i32
      %dma_wait3A_58 = tpu.memref_slice %arg2[%dma_wait3A_56, %dma_wait3A_57] : memref<10000x128xf32, #tpu.memory_space<hbm>> -> memref<96x128xf32, #tpu.memory_space<hbm>>
      tpu.wait_dma2 semaphore(%arg27 : memref<!tpu.dma_semaphore, #tpu.memory_space<semaphore_mem>>) src(%dma_wait3A_58 : memref<96x128xf32, #tpu.memory_space<hbm>>) dst(%arg19 : memref<96x128xf32, #tpu.memory_space<vmem>>)
      %dma_wait3A_59 = arith.constant 0 : i32
      %dma_wait3A_60 = arith.constant 0 : i32
      %dma_wait3A_61 = tpu.memref_slice %arg2[%dma_wait3A_59, %dma_wait3A_60] : memref<10000x128xf32, #tpu.memory_space<hbm>> -> memref<96x128xf32, #tpu.memory_space<hbm>>
      %dma_wait3A_62 = arith.constant 0 : i32
      %dma_wait3A_63 = arith.constant 0 : i32
      %dma_wait3A_64 = tpu.memref_slice %arg2[%dma_wait3A_62, %dma_wait3A_63] : memref<10000x128xf32, #tpu.memory_space<hbm>> -> memref<96x128xf32, #tpu.memory_space<hbm>>
      tpu.wait_dma2 semaphore(%arg28 : memref<!tpu.dma_semaphore, #tpu.memory_space<semaphore_mem>>) src(%dma_wait3A_64 : memref<96x128xf32, #tpu.memory_space<hbm>>) dst(%arg20 : memref<96x128xf32, #tpu.memory_space<vmem>>)
    } else {
    }
    %eq3A_5 = arith.constant 1 : i32
    %eq3A_6 = arith.cmpi eq, %arg0, %eq3A_5 : i32
    %convert_element_type3A_7 = arith.extui %eq3A_6 : i1 to i32
    %cond3A_8 = arith.constant 0 : i32
    %cond3A_9 = arith.cmpi ne, %convert_element_type3A_7, %cond3A_8 : i32
    scf.if %cond3A_9 {
      %mul3A_21 = arith.constant 210 : i32
      %mul3A_22 = arith.muli %arg1, %mul3A_21 : i32
      %broadcast_in_dim3A = arith.constant 1.000000e+00 : f32
      %broadcast_in_dim3A_23 = vector.broadcast %broadcast_in_dim3A : f32 to vector<16xf32>
      %dma_start3A = arith.constant 0 : i32
      %dma_start3A_24 = tpu.memref_slice %arg6[%mul3A_22, %dma_start3A] : memref<3363x96xi32, #tpu.memory_space<hbm>> -> memref<3x96xi32, #tpu.memory_space<hbm>>
      %dma_start3A_25 = arith.constant 0 : i32
      %dma_start3A_26 = tpu.memref_slice %arg6[%mul3A_22, %dma_start3A_25] : memref<3363x96xi32, #tpu.memory_space<hbm>> -> memref<3x96xi32, #tpu.memory_space<hbm>>
      tpu.enqueue_dma source(%dma_start3A_26 : memref<3x96xi32, #tpu.memory_space<hbm>>) target(%arg14 : memref<3x96xi32, #tpu.memory_space<vmem>>) target_semaphore(%arg29 : memref<!tpu.dma_semaphore, #tpu.memory_space<semaphore_mem>>)
      %dma_start3A_27 = arith.constant 0 : i32
      %dma_start3A_28 = tpu.memref_slice %arg7[%mul3A_22, %dma_start3A_27] : memref<3363x96xi32, #tpu.memory_space<hbm>> -> memref<3x96xi32, #tpu.memory_space<hbm>>
      %dma_start3A_29 = arith.constant 0 : i32
      %dma_start3A_30 = tpu.memref_slice %arg7[%mul3A_22, %dma_start3A_29] : memref<3363x96xi32, #tpu.memory_space<hbm>> -> memref<3x96xi32, #tpu.memory_space<hbm>>
      tpu.enqueue_dma source(%dma_start3A_30 : memref<3x96xi32, #tpu.memory_space<hbm>>) target(%arg16 : memref<3x96xi32, #tpu.memory_space<vmem>>) target_semaphore(%arg29 : memref<!tpu.dma_semaphore, #tpu.memory_space<semaphore_mem>>)
      %scan3A = arith.constant 0 : i32
      %scan3A_31 = arith.constant 0 : i32
      %scan3A_32 = arith.constant 35 : i32
      %scan3A_33 = arith.addi %scan3A_31, %scan3A_32 : i32
      %scan3A_34 = arith.constant 1 : i32
      scf.for %scan3A_65 = %scan3A_31 to %scan3A_33 step %scan3A_34  : i32 {
        %mul3A_66 = arith.constant 2 : i32
        %mul3A_67 = arith.muli %mul3A_66, %scan3A_65 : i32
        %dma_wait3A_68 = arith.constant 0 : i32
        %dma_wait3A_69 = arith.constant 0 : i32
        %dma_wait3A_70 = tpu.memref_slice %arg6[%dma_wait3A_68, %dma_wait3A_69] : memref<3363x96xi32, #tpu.memory_space<hbm>> -> memref<3x96xi32, #tpu.memory_space<hbm>>
        %dma_wait3A_71 = arith.constant 0 : i32
        %dma_wait3A_72 = arith.constant 0 : i32
        %dma_wait3A_73 = tpu.memref_slice %arg6[%dma_wait3A_71, %dma_wait3A_72] : memref<3363x96xi32, #tpu.memory_space<hbm>> -> memref<3x96xi32, #tpu.memory_space<hbm>>
        tpu.wait_dma2 semaphore(%arg29 : memref<!tpu.dma_semaphore, #tpu.memory_space<semaphore_mem>>) src(%dma_wait3A_73 : memref<3x96xi32, #tpu.memory_space<hbm>>) dst(%arg14 : memref<3x96xi32, #tpu.memory_space<vmem>>)
        %dma_wait3A_74 = arith.constant 0 : i32
        %dma_wait3A_75 = arith.constant 0 : i32
        %dma_wait3A_76 = tpu.memref_slice %arg6[%dma_wait3A_74, %dma_wait3A_75] : memref<3363x96xi32, #tpu.memory_space<hbm>> -> memref<3x96xi32, #tpu.memory_space<hbm>>
        %dma_wait3A_77 = arith.constant 0 : i32
        %dma_wait3A_78 = arith.constant 0 : i32
        %dma_wait3A_79 = tpu.memref_slice %arg6[%dma_wait3A_77, %dma_wait3A_78] : memref<3363x96xi32, #tpu.memory_space<hbm>> -> memref<3x96xi32, #tpu.memory_space<hbm>>
        tpu.wait_dma2 semaphore(%arg29 : memref<!tpu.dma_semaphore, #tpu.memory_space<semaphore_mem>>) src(%dma_wait3A_79 : memref<3x96xi32, #tpu.memory_space<hbm>>) dst(%arg16 : memref<3x96xi32, #tpu.memory_space<vmem>>)
        %gt3A = arith.constant 0 : i32
        %gt3A_80 = arith.cmpi sgt, %scan3A_65, %gt3A : i32
        %convert_element_type3A_81 = arith.extui %gt3A_80 : i1 to i32
        %cond3A_82 = arith.constant 0 : i32
        %cond3A_83 = arith.cmpi ne, %convert_element_type3A_81, %cond3A_82 : i32
        scf.if %cond3A_83 {
          %dma_wait3A_422 = arith.constant 0 : i32
          %dma_wait3A_423 = arith.constant 0 : i32
          %dma_wait3A_424 = tpu.memref_slice %arg3[%dma_wait3A_422, %dma_wait3A_423] : memref<10000x128xf32, #tpu.memory_space<hbm>> -> memref<96x128xf32, #tpu.memory_space<hbm>>
          %dma_wait3A_425 = arith.constant 0 : i32
          %dma_wait3A_426 = arith.constant 0 : i32
          %dma_wait3A_427 = tpu.memref_slice %arg3[%dma_wait3A_425, %dma_wait3A_426] : memref<10000x128xf32, #tpu.memory_space<hbm>> -> memref<96x128xf32, #tpu.memory_space<hbm>>
          tpu.wait_dma2 semaphore(%arg26 : memref<!tpu.dma_semaphore, #tpu.memory_space<semaphore_mem>>) src(%dma_wait3A_427 : memref<96x128xf32, #tpu.memory_space<hbm>>) dst(%arg18 : memref<96x128xf32, #tpu.memory_space<vmem>>)
        } else {
        }
        %dma_start3A_84 = arith.constant 0 : i32
        %dma_start3A_85 = arith.constant 0 : i32
        %dma_start3A_86 = tpu.memref_slice %arg14[%dma_start3A_84, %dma_start3A_85] : memref<3x96xi32, #tpu.memory_space<vmem>> -> memref<1x96xi32, #tpu.memory_space<vmem>>
        %dma_start3A_87 = tpu.memref_squeeze %dma_start3A_86 : memref<1x96xi32, #tpu.memory_space<vmem>> -> memref<96xi32, #tpu.memory_space<vmem>>
        %dma_start3A_88 = arith.constant 0 : i32
        %dma_start3A_89 = arith.constant 0 : i32
        %dma_start3A_90 = tpu.memref_slice %arg3[%dma_start3A_88, %dma_start3A_89] : memref<10000x128xf32, #tpu.memory_space<hbm>> -> memref<10000x128xf32, #tpu.memory_space<hbm>>
        tpu.enqueue_indirect_dma source(%dma_start3A_90 : memref<10000x128xf32, #tpu.memory_space<hbm>>) target(%arg18 : memref<96x128xf32, #tpu.memory_space<vmem>>) offsets(%dma_start3A_87 : memref<96xi32, #tpu.memory_space<vmem>>) semaphore(%arg23 : memref<!tpu.dma_semaphore, #tpu.memory_space<semaphore_mem>>)
        %gt3A_91 = arith.constant 0 : i32
        %gt3A_92 = arith.cmpi sgt, %scan3A_65, %gt3A_91 : i32
        %convert_element_type3A_93 = arith.extui %gt3A_92 : i1 to i32
        %cond3A_94 = arith.constant 0 : i32
        %cond3A_95 = arith.cmpi ne, %convert_element_type3A_93, %cond3A_94 : i32
        scf.if %cond3A_95 {
          %dma_wait3A_422 = arith.constant 0 : i32
          %dma_wait3A_423 = arith.constant 0 : i32
          %dma_wait3A_424 = tpu.memref_slice %arg3[%dma_wait3A_422, %dma_wait3A_423] : memref<10000x128xf32, #tpu.memory_space<hbm>> -> memref<96x128xf32, #tpu.memory_space<hbm>>
          %dma_wait3A_425 = arith.constant 0 : i32
          %dma_wait3A_426 = arith.constant 0 : i32
          %dma_wait3A_427 = tpu.memref_slice %arg3[%dma_wait3A_425, %dma_wait3A_426] : memref<10000x128xf32, #tpu.memory_space<hbm>> -> memref<96x128xf32, #tpu.memory_space<hbm>>
          tpu.wait_dma2 semaphore(%arg27 : memref<!tpu.dma_semaphore, #tpu.memory_space<semaphore_mem>>) src(%dma_wait3A_427 : memref<96x128xf32, #tpu.memory_space<hbm>>) dst(%arg19 : memref<96x128xf32, #tpu.memory_space<vmem>>)
        } else {
        }
        %dma_start3A_96 = arith.constant 1 : i32
        %dma_start3A_97 = arith.constant 0 : i32
        %dma_start3A_98 = tpu.memref_slice %arg14[%dma_start3A_96, %dma_start3A_97] : memref<3x96xi32, #tpu.memory_space<vmem>> -> memref<1x96xi32, #tpu.memory_space<vmem>>
        %dma_start3A_99 = tpu.memref_squeeze %dma_start3A_98 : memref<1x96xi32, #tpu.memory_space<vmem>> -> memref<96xi32, #tpu.memory_space<vmem>>
        %dma_start3A_100 = arith.constant 0 : i32
        %dma_start3A_101 = arith.constant 0 : i32
        %dma_start3A_102 = tpu.memref_slice %arg3[%dma_start3A_100, %dma_start3A_101] : memref<10000x128xf32, #tpu.memory_space<hbm>> -> memref<10000x128xf32, #tpu.memory_space<hbm>>
        tpu.enqueue_indirect_dma source(%dma_start3A_102 : memref<10000x128xf32, #tpu.memory_space<hbm>>) target(%arg19 : memref<96x128xf32, #tpu.memory_space<vmem>>) offsets(%dma_start3A_99 : memref<96xi32, #tpu.memory_space<vmem>>) semaphore(%arg24 : memref<!tpu.dma_semaphore, #tpu.memory_space<semaphore_mem>>)
        %gt3A_103 = arith.constant 0 : i32
        %gt3A_104 = arith.cmpi sgt, %scan3A_65, %gt3A_103 : i32
        %convert_element_type3A_105 = arith.extui %gt3A_104 : i1 to i32
        %cond3A_106 = arith.constant 0 : i32
        %cond3A_107 = arith.cmpi ne, %convert_element_type3A_105, %cond3A_106 : i32
        scf.if %cond3A_107 {
          %dma_wait3A_422 = arith.constant 0 : i32
          %dma_wait3A_423 = arith.constant 0 : i32
          %dma_wait3A_424 = tpu.memref_slice %arg3[%dma_wait3A_422, %dma_wait3A_423] : memref<10000x128xf32, #tpu.memory_space<hbm>> -> memref<96x128xf32, #tpu.memory_space<hbm>>
          %dma_wait3A_425 = arith.constant 0 : i32
          %dma_wait3A_426 = arith.constant 0 : i32
          %dma_wait3A_427 = tpu.memref_slice %arg3[%dma_wait3A_425, %dma_wait3A_426] : memref<10000x128xf32, #tpu.memory_space<hbm>> -> memref<96x128xf32, #tpu.memory_space<hbm>>
          tpu.wait_dma2 semaphore(%arg28 : memref<!tpu.dma_semaphore, #tpu.memory_space<semaphore_mem>>) src(%dma_wait3A_427 : memref<96x128xf32, #tpu.memory_space<hbm>>) dst(%arg20 : memref<96x128xf32, #tpu.memory_space<vmem>>)
        } else {
        }
        %add3A = arith.constant 1 : i32
        %add3A_108 = arith.addi %mul3A_67, %add3A : i32
        %mul3A_109 = arith.constant 3 : i32
        %mul3A_110 = arith.muli %add3A_108, %mul3A_109 : i32
        %add3A_111 = arith.addi %mul3A_22, %mul3A_110 : i32
        %dma_start3A_112 = arith.constant 0 : i32
        %dma_start3A_113 = tpu.memref_slice %arg6[%add3A_111, %dma_start3A_112] : memref<3363x96xi32, #tpu.memory_space<hbm>> -> memref<3x96xi32, #tpu.memory_space<hbm>>
        %dma_start3A_114 = arith.constant 0 : i32
        %dma_start3A_115 = tpu.memref_slice %arg6[%add3A_111, %dma_start3A_114] : memref<3363x96xi32, #tpu.memory_space<hbm>> -> memref<3x96xi32, #tpu.memory_space<hbm>>
        tpu.enqueue_dma source(%dma_start3A_115 : memref<3x96xi32, #tpu.memory_space<hbm>>) target(%arg15 : memref<3x96xi32, #tpu.memory_space<vmem>>) target_semaphore(%arg30 : memref<!tpu.dma_semaphore, #tpu.memory_space<semaphore_mem>>)
        %dma_start3A_116 = arith.constant 0 : i32
        %dma_start3A_117 = tpu.memref_slice %arg7[%add3A_111, %dma_start3A_116] : memref<3363x96xi32, #tpu.memory_space<hbm>> -> memref<3x96xi32, #tpu.memory_space<hbm>>
        %dma_start3A_118 = arith.constant 0 : i32
        %dma_start3A_119 = tpu.memref_slice %arg7[%add3A_111, %dma_start3A_118] : memref<3363x96xi32, #tpu.memory_space<hbm>> -> memref<3x96xi32, #tpu.memory_space<hbm>>
        tpu.enqueue_dma source(%dma_start3A_119 : memref<3x96xi32, #tpu.memory_space<hbm>>) target(%arg17 : memref<3x96xi32, #tpu.memory_space<vmem>>) target_semaphore(%arg30 : memref<!tpu.dma_semaphore, #tpu.memory_space<semaphore_mem>>)
        %dma_start3A_120 = arith.constant 2 : i32
        %dma_start3A_121 = arith.constant 0 : i32
        %dma_start3A_122 = tpu.memref_slice %arg14[%dma_start3A_120, %dma_start3A_121] : memref<3x96xi32, #tpu.memory_space<vmem>> -> memref<1x96xi32, #tpu.memory_space<vmem>>
        %dma_start3A_123 = tpu.memref_squeeze %dma_start3A_122 : memref<1x96xi32, #tpu.memory_space<vmem>> -> memref<96xi32, #tpu.memory_space<vmem>>
        %dma_start3A_124 = arith.constant 0 : i32
        %dma_start3A_125 = arith.constant 0 : i32
        %dma_start3A_126 = tpu.memref_slice %arg3[%dma_start3A_124, %dma_start3A_125] : memref<10000x128xf32, #tpu.memory_space<hbm>> -> memref<10000x128xf32, #tpu.memory_space<hbm>>
        tpu.enqueue_indirect_dma source(%dma_start3A_126 : memref<10000x128xf32, #tpu.memory_space<hbm>>) target(%arg20 : memref<96x128xf32, #tpu.memory_space<vmem>>) offsets(%dma_start3A_123 : memref<96xi32, #tpu.memory_space<vmem>>) semaphore(%arg25 : memref<!tpu.dma_semaphore, #tpu.memory_space<semaphore_mem>>)
        %get3A = arith.constant 0 : i32
        %get3A_127 = arith.index_cast %get3A : i32 to index
        %get3A_128 = arith.constant 0 : index
        %get3A_129 = tpu.vector_load %arg16[%get3A_127, %get3A_128] {strides = array<i32>} : memref<3x96xi32, #tpu.memory_space<vmem>>, vector<16xi32>,
        tpu.vector_store_idx %arg21[%get3A_129], %broadcast_in_dim3A_23 {add = true} : memref<10112xf32, #tpu.memory_space<vmem>>[vector<16xi32>], vector<16xf32>,
        %get3A_130 = arith.constant 0 : i32
        %get3A_131 = arith.index_cast %get3A_130 : i32 to index
        %get3A_132 = arith.constant 16 : index
        %get3A_133 = tpu.vector_load %arg16[%get3A_131, %get3A_132] {strides = array<i32>} : memref<3x96xi32, #tpu.memory_space<vmem>>, vector<16xi32>,
        tpu.vector_store_idx %arg21[%get3A_133], %broadcast_in_dim3A_23 {add = true} : memref<10112xf32, #tpu.memory_space<vmem>>[vector<16xi32>], vector<16xf32>,
        %get3A_134 = arith.constant 0 : i32
        %get3A_135 = arith.index_cast %get3A_134 : i32 to index
        %get3A_136 = arith.constant 32 : index
        %get3A_137 = tpu.vector_load %arg16[%get3A_135, %get3A_136] {strides = array<i32>} : memref<3x96xi32, #tpu.memory_space<vmem>>, vector<16xi32>,
        tpu.vector_store_idx %arg21[%get3A_137], %broadcast_in_dim3A_23 {add = true} : memref<10112xf32, #tpu.memory_space<vmem>>[vector<16xi32>], vector<16xf32>,
        %get3A_138 = arith.constant 0 : i32
        %get3A_139 = arith.index_cast %get3A_138 : i32 to index
        %get3A_140 = arith.constant 48 : index
        %get3A_141 = tpu.vector_load %arg16[%get3A_139, %get3A_140] {strides = array<i32>} : memref<3x96xi32, #tpu.memory_space<vmem>>, vector<16xi32>,
        tpu.vector_store_idx %arg21[%get3A_141], %broadcast_in_dim3A_23 {add = true} : memref<10112xf32, #tpu.memory_space<vmem>>[vector<16xi32>], vector<16xf32>,
        %get3A_142 = arith.constant 0 : i32
        %get3A_143 = arith.index_cast %get3A_142 : i32 to index
        %get3A_144 = arith.constant 64 : index
        %get3A_145 = tpu.vector_load %arg16[%get3A_143, %get3A_144] {strides = array<i32>} : memref<3x96xi32, #tpu.memory_space<vmem>>, vector<16xi32>,
        tpu.vector_store_idx %arg21[%get3A_145], %broadcast_in_dim3A_23 {add = true} : memref<10112xf32, #tpu.memory_space<vmem>>[vector<16xi32>], vector<16xf32>,
        %get3A_146 = arith.constant 0 : i32
        %get3A_147 = arith.index_cast %get3A_146 : i32 to index
        %get3A_148 = arith.constant 80 : index
        %get3A_149 = tpu.vector_load %arg16[%get3A_147, %get3A_148] {strides = array<i32>} : memref<3x96xi32, #tpu.memory_space<vmem>>, vector<16xi32>,
        tpu.vector_store_idx %arg21[%get3A_149], %broadcast_in_dim3A_23 {add = true} : memref<10112xf32, #tpu.memory_space<vmem>>[vector<16xi32>], vector<16xf32>,
        %get3A_150 = arith.constant 1 : i32
        %get3A_151 = arith.index_cast %get3A_150 : i32 to index
        %get3A_152 = arith.constant 0 : index
        %get3A_153 = tpu.vector_load %arg16[%get3A_151, %get3A_152] {strides = array<i32>} : memref<3x96xi32, #tpu.memory_space<vmem>>, vector<16xi32>,
        tpu.vector_store_idx %arg21[%get3A_153], %broadcast_in_dim3A_23 {add = true} : memref<10112xf32, #tpu.memory_space<vmem>>[vector<16xi32>], vector<16xf32>,
        %get3A_154 = arith.constant 1 : i32
        %get3A_155 = arith.index_cast %get3A_154 : i32 to index
        %get3A_156 = arith.constant 16 : index
        %get3A_157 = tpu.vector_load %arg16[%get3A_155, %get3A_156] {strides = array<i32>} : memref<3x96xi32, #tpu.memory_space<vmem>>, vector<16xi32>,
        tpu.vector_store_idx %arg21[%get3A_157], %broadcast_in_dim3A_23 {add = true} : memref<10112xf32, #tpu.memory_space<vmem>>[vector<16xi32>], vector<16xf32>,
        %get3A_158 = arith.constant 1 : i32
        %get3A_159 = arith.index_cast %get3A_158 : i32 to index
        %get3A_160 = arith.constant 32 : index
        %get3A_161 = tpu.vector_load %arg16[%get3A_159, %get3A_160] {strides = array<i32>} : memref<3x96xi32, #tpu.memory_space<vmem>>, vector<16xi32>,
        tpu.vector_store_idx %arg21[%get3A_161], %broadcast_in_dim3A_23 {add = true} : memref<10112xf32, #tpu.memory_space<vmem>>[vector<16xi32>], vector<16xf32>,
        %get3A_162 = arith.constant 1 : i32
        %get3A_163 = arith.index_cast %get3A_162 : i32 to index
        %get3A_164 = arith.constant 48 : index
        %get3A_165 = tpu.vector_load %arg16[%get3A_163, %get3A_164] {strides = array<i32>} : memref<3x96xi32, #tpu.memory_space<vmem>>, vector<16xi32>,
        tpu.vector_store_idx %arg21[%get3A_165], %broadcast_in_dim3A_23 {add = true} : memref<10112xf32, #tpu.memory_space<vmem>>[vector<16xi32>], vector<16xf32>,
        %get3A_166 = arith.constant 1 : i32
        %get3A_167 = arith.index_cast %get3A_166 : i32 to index
        %get3A_168 = arith.constant 64 : index
        %get3A_169 = tpu.vector_load %arg16[%get3A_167, %get3A_168] {strides = array<i32>} : memref<3x96xi32, #tpu.memory_space<vmem>>, vector<16xi32>,
        tpu.vector_store_idx %arg21[%get3A_169], %broadcast_in_dim3A_23 {add = true} : memref<10112xf32, #tpu.memory_space<vmem>>[vector<16xi32>], vector<16xf32>,
        %get3A_170 = arith.constant 1 : i32
        %get3A_171 = arith.index_cast %get3A_170 : i32 to index
        %get3A_172 = arith.constant 80 : index
        %get3A_173 = tpu.vector_load %arg16[%get3A_171, %get3A_172] {strides = array<i32>} : memref<3x96xi32, #tpu.memory_space<vmem>>, vector<16xi32>,
        tpu.vector_store_idx %arg21[%get3A_173], %broadcast_in_dim3A_23 {add = true} : memref<10112xf32, #tpu.memory_space<vmem>>[vector<16xi32>], vector<16xf32>,
        %get3A_174 = arith.constant 2 : i32
        %get3A_175 = arith.index_cast %get3A_174 : i32 to index
        %get3A_176 = arith.constant 0 : index
        %get3A_177 = tpu.vector_load %arg16[%get3A_175, %get3A_176] {strides = array<i32>} : memref<3x96xi32, #tpu.memory_space<vmem>>, vector<16xi32>,
        tpu.vector_store_idx %arg21[%get3A_177], %broadcast_in_dim3A_23 {add = true} : memref<10112xf32, #tpu.memory_space<vmem>>[vector<16xi32>], vector<16xf32>,
        %get3A_178 = arith.constant 2 : i32
        %get3A_179 = arith.index_cast %get3A_178 : i32 to index
        %get3A_180 = arith.constant 16 : index
        %get3A_181 = tpu.vector_load %arg16[%get3A_179, %get3A_180] {strides = array<i32>} : memref<3x96xi32, #tpu.memory_space<vmem>>, vector<16xi32>,
        tpu.vector_store_idx %arg21[%get3A_181], %broadcast_in_dim3A_23 {add = true} : memref<10112xf32, #tpu.memory_space<vmem>>[vector<16xi32>], vector<16xf32>,
        %get3A_182 = arith.constant 2 : i32
        %get3A_183 = arith.index_cast %get3A_182 : i32 to index
        %get3A_184 = arith.constant 32 : index
        %get3A_185 = tpu.vector_load %arg16[%get3A_183, %get3A_184] {strides = array<i32>} : memref<3x96xi32, #tpu.memory_space<vmem>>, vector<16xi32>,
        tpu.vector_store_idx %arg21[%get3A_185], %broadcast_in_dim3A_23 {add = true} : memref<10112xf32, #tpu.memory_space<vmem>>[vector<16xi32>], vector<16xf32>,
        %get3A_186 = arith.constant 2 : i32
        %get3A_187 = arith.index_cast %get3A_186 : i32 to index
        %get3A_188 = arith.constant 48 : index
        %get3A_189 = tpu.vector_load %arg16[%get3A_187, %get3A_188] {strides = array<i32>} : memref<3x96xi32, #tpu.memory_space<vmem>>, vector<16xi32>,
        tpu.vector_store_idx %arg21[%get3A_189], %broadcast_in_dim3A_23 {add = true} : memref<10112xf32, #tpu.memory_space<vmem>>[vector<16xi32>], vector<16xf32>,
        %get3A_190 = arith.constant 2 : i32
        %get3A_191 = arith.index_cast %get3A_190 : i32 to index
        %get3A_192 = arith.constant 64 : index
        %get3A_193 = tpu.vector_load %arg16[%get3A_191, %get3A_192] {strides = array<i32>} : memref<3x96xi32, #tpu.memory_space<vmem>>, vector<16xi32>,
        tpu.vector_store_idx %arg21[%get3A_193], %broadcast_in_dim3A_23 {add = true} : memref<10112xf32, #tpu.memory_space<vmem>>[vector<16xi32>], vector<16xf32>,
        %get3A_194 = arith.constant 2 : i32
        %get3A_195 = arith.index_cast %get3A_194 : i32 to index
        %get3A_196 = arith.constant 80 : index
        %get3A_197 = tpu.vector_load %arg16[%get3A_195, %get3A_196] {strides = array<i32>} : memref<3x96xi32, #tpu.memory_space<vmem>>, vector<16xi32>,
        tpu.vector_store_idx %arg21[%get3A_197], %broadcast_in_dim3A_23 {add = true} : memref<10112xf32, #tpu.memory_space<vmem>>[vector<16xi32>], vector<16xf32>,
        %dma_wait3A_198 = arith.constant 0 : i32
        %dma_wait3A_199 = arith.constant 0 : i32
        %dma_wait3A_200 = tpu.memref_slice %arg14[%dma_wait3A_198, %dma_wait3A_199] : memref<3x96xi32, #tpu.memory_space<vmem>> -> memref<1x96xi32, #tpu.memory_space<vmem>>
        %dma_wait3A_201 = tpu.memref_squeeze %dma_wait3A_200 : memref<1x96xi32, #tpu.memory_space<vmem>> -> memref<96xi32, #tpu.memory_space<vmem>>
        %dma_wait3A_202 = arith.constant 0 : i32
        %dma_wait3A_203 = arith.constant 0 : i32
        %dma_wait3A_204 = tpu.memref_slice %arg3[%dma_wait3A_202, %dma_wait3A_203] : memref<10000x128xf32, #tpu.memory_space<hbm>> -> memref<10000x128xf32, #tpu.memory_space<hbm>>
        tpu.wait_indirect_dma semaphore(%arg23 : memref<!tpu.dma_semaphore, #tpu.memory_space<semaphore_mem>>) src(%dma_wait3A_204 : memref<10000x128xf32, #tpu.memory_space<hbm>>) dst(%arg18 : memref<96x128xf32, #tpu.memory_space<vmem>>)
        %dma_start3A_205 = arith.constant 0 : i32
        %dma_start3A_206 = arith.constant 0 : i32
        %dma_start3A_207 = tpu.memref_slice %arg16[%dma_start3A_205, %dma_start3A_206] : memref<3x96xi32, #tpu.memory_space<vmem>> -> memref<1x96xi32, #tpu.memory_space<vmem>>
        %dma_start3A_208 = tpu.memref_squeeze %dma_start3A_207 : memref<1x96xi32, #tpu.memory_space<vmem>> -> memref<96xi32, #tpu.memory_space<vmem>>
        %dma_start3A_209 = arith.constant 0 : i32
        %dma_start3A_210 = arith.constant 0 : i32
        %dma_start3A_211 = tpu.memref_slice %arg22[%dma_start3A_209, %dma_start3A_210] : memref<10112x128xf32, #tpu.memory_space<vmem_shared>> -> memref<10112x128xf32, #tpu.memory_space<vmem_shared>>
        tpu.enqueue_indirect_dma source(%arg18 : memref<96x128xf32, #tpu.memory_space<vmem>>) target(%dma_start3A_211 : memref<10112x128xf32, #tpu.memory_space<vmem_shared>>) offsets(%dma_start3A_208 : memref<96xi32, #tpu.memory_space<vmem>>) semaphore(%arg26 : memref<!tpu.dma_semaphore, #tpu.memory_space<semaphore_mem>>) {add = true}
        %dma_wait3A_212 = arith.constant 1 : i32
        %dma_wait3A_213 = arith.constant 0 : i32
        %dma_wait3A_214 = tpu.memref_slice %arg14[%dma_wait3A_212, %dma_wait3A_213] : memref<3x96xi32, #tpu.memory_space<vmem>> -> memref<1x96xi32, #tpu.memory_space<vmem>>
        %dma_wait3A_215 = tpu.memref_squeeze %dma_wait3A_214 : memref<1x96xi32, #tpu.memory_space<vmem>> -> memref<96xi32, #tpu.memory_space<vmem>>
        %dma_wait3A_216 = arith.constant 0 : i32
        %dma_wait3A_217 = arith.constant 0 : i32
        %dma_wait3A_218 = tpu.memref_slice %arg3[%dma_wait3A_216, %dma_wait3A_217] : memref<10000x128xf32, #tpu.memory_space<hbm>> -> memref<10000x128xf32, #tpu.memory_space<hbm>>
        tpu.wait_indirect_dma semaphore(%arg24 : memref<!tpu.dma_semaphore, #tpu.memory_space<semaphore_mem>>) src(%dma_wait3A_218 : memref<10000x128xf32, #tpu.memory_space<hbm>>) dst(%arg19 : memref<96x128xf32, #tpu.memory_space<vmem>>)
        %dma_start3A_219 = arith.constant 1 : i32
        %dma_start3A_220 = arith.constant 0 : i32
        %dma_start3A_221 = tpu.memref_slice %arg16[%dma_start3A_219, %dma_start3A_220] : memref<3x96xi32, #tpu.memory_space<vmem>> -> memref<1x96xi32, #tpu.memory_space<vmem>>
        %dma_start3A_222 = tpu.memref_squeeze %dma_start3A_221 : memref<1x96xi32, #tpu.memory_space<vmem>> -> memref<96xi32, #tpu.memory_space<vmem>>
        %dma_start3A_223 = arith.constant 0 : i32
        %dma_start3A_224 = arith.constant 0 : i32
        %dma_start3A_225 = tpu.memref_slice %arg22[%dma_start3A_223, %dma_start3A_224] : memref<10112x128xf32, #tpu.memory_space<vmem_shared>> -> memref<10112x128xf32, #tpu.memory_space<vmem_shared>>
        tpu.enqueue_indirect_dma source(%arg19 : memref<96x128xf32, #tpu.memory_space<vmem>>) target(%dma_start3A_225 : memref<10112x128xf32, #tpu.memory_space<vmem_shared>>) offsets(%dma_start3A_222 : memref<96xi32, #tpu.memory_space<vmem>>) semaphore(%arg27 : memref<!tpu.dma_semaphore, #tpu.memory_space<semaphore_mem>>) {add = true}
        %dma_wait3A_226 = arith.constant 2 : i32
        %dma_wait3A_227 = arith.constant 0 : i32
        %dma_wait3A_228 = tpu.memref_slice %arg14[%dma_wait3A_226, %dma_wait3A_227] : memref<3x96xi32, #tpu.memory_space<vmem>> -> memref<1x96xi32, #tpu.memory_space<vmem>>
        %dma_wait3A_229 = tpu.memref_squeeze %dma_wait3A_228 : memref<1x96xi32, #tpu.memory_space<vmem>> -> memref<96xi32, #tpu.memory_space<vmem>>
        %dma_wait3A_230 = arith.constant 0 : i32
        %dma_wait3A_231 = arith.constant 0 : i32
        %dma_wait3A_232 = tpu.memref_slice %arg3[%dma_wait3A_230, %dma_wait3A_231] : memref<10000x128xf32, #tpu.memory_space<hbm>> -> memref<10000x128xf32, #tpu.memory_space<hbm>>
        tpu.wait_indirect_dma semaphore(%arg25 : memref<!tpu.dma_semaphore, #tpu.memory_space<semaphore_mem>>) src(%dma_wait3A_232 : memref<10000x128xf32, #tpu.memory_space<hbm>>) dst(%arg20 : memref<96x128xf32, #tpu.memory_space<vmem>>)
        %dma_start3A_233 = arith.constant 2 : i32
        %dma_start3A_234 = arith.constant 0 : i32
        %dma_start3A_235 = tpu.memref_slice %arg16[%dma_start3A_233, %dma_start3A_234] : memref<3x96xi32, #tpu.memory_space<vmem>> -> memref<1x96xi32, #tpu.memory_space<vmem>>
        %dma_start3A_236 = tpu.memref_squeeze %dma_start3A_235 : memref<1x96xi32, #tpu.memory_space<vmem>> -> memref<96xi32, #tpu.memory_space<vmem>>
        %dma_start3A_237 = arith.constant 0 : i32
        %dma_start3A_238 = arith.constant 0 : i32
        %dma_start3A_239 = tpu.memref_slice %arg22[%dma_start3A_237, %dma_start3A_238] : memref<10112x128xf32, #tpu.memory_space<vmem_shared>> -> memref<10112x128xf32, #tpu.memory_space<vmem_shared>>
        tpu.enqueue_indirect_dma source(%arg20 : memref<96x128xf32, #tpu.memory_space<vmem>>) target(%dma_start3A_239 : memref<10112x128xf32, #tpu.memory_space<vmem_shared>>) offsets(%dma_start3A_236 : memref<96xi32, #tpu.memory_space<vmem>>) semaphore(%arg28 : memref<!tpu.dma_semaphore, #tpu.memory_space<semaphore_mem>>) {add = true}
        %mul3A_240 = arith.constant 2 : i32
        %mul3A_241 = arith.muli %mul3A_240, %scan3A_65 : i32
        %add3A_242 = arith.constant 1 : i32
        %add3A_243 = arith.addi %mul3A_241, %add3A_242 : i32
        %dma_wait3A_244 = arith.constant 0 : i32
        %dma_wait3A_245 = arith.constant 0 : i32
        %dma_wait3A_246 = tpu.memref_slice %arg6[%dma_wait3A_244, %dma_wait3A_245] : memref<3363x96xi32, #tpu.memory_space<hbm>> -> memref<3x96xi32, #tpu.memory_space<hbm>>
        %dma_wait3A_247 = arith.constant 0 : i32
        %dma_wait3A_248 = arith.constant 0 : i32
        %dma_wait3A_249 = tpu.memref_slice %arg6[%dma_wait3A_247, %dma_wait3A_248] : memref<3363x96xi32, #tpu.memory_space<hbm>> -> memref<3x96xi32, #tpu.memory_space<hbm>>
        tpu.wait_dma2 semaphore(%arg30 : memref<!tpu.dma_semaphore, #tpu.memory_space<semaphore_mem>>) src(%dma_wait3A_249 : memref<3x96xi32, #tpu.memory_space<hbm>>) dst(%arg15 : memref<3x96xi32, #tpu.memory_space<vmem>>)
        %dma_wait3A_250 = arith.constant 0 : i32
        %dma_wait3A_251 = arith.constant 0 : i32
        %dma_wait3A_252 = tpu.memref_slice %arg6[%dma_wait3A_250, %dma_wait3A_251] : memref<3363x96xi32, #tpu.memory_space<hbm>> -> memref<3x96xi32, #tpu.memory_space<hbm>>
        %dma_wait3A_253 = arith.constant 0 : i32
        %dma_wait3A_254 = arith.constant 0 : i32
        %dma_wait3A_255 = tpu.memref_slice %arg6[%dma_wait3A_253, %dma_wait3A_254] : memref<3363x96xi32, #tpu.memory_space<hbm>> -> memref<3x96xi32, #tpu.memory_space<hbm>>
        tpu.wait_dma2 semaphore(%arg30 : memref<!tpu.dma_semaphore, #tpu.memory_space<semaphore_mem>>) src(%dma_wait3A_255 : memref<3x96xi32, #tpu.memory_space<hbm>>) dst(%arg17 : memref<3x96xi32, #tpu.memory_space<vmem>>)
        %dma_wait3A_256 = arith.constant 0 : i32
        %dma_wait3A_257 = arith.constant 0 : i32
        %dma_wait3A_258 = tpu.memref_slice %arg3[%dma_wait3A_256, %dma_wait3A_257] : memref<10000x128xf32, #tpu.memory_space<hbm>> -> memref<96x128xf32, #tpu.memory_space<hbm>>
        %dma_wait3A_259 = arith.constant 0 : i32
        %dma_wait3A_260 = arith.constant 0 : i32
        %dma_wait3A_261 = tpu.memref_slice %arg3[%dma_wait3A_259, %dma_wait3A_260] : memref<10000x128xf32, #tpu.memory_space<hbm>> -> memref<96x128xf32, #tpu.memory_space<hbm>>
        tpu.wait_dma2 semaphore(%arg26 : memref<!tpu.dma_semaphore, #tpu.memory_space<semaphore_mem>>) src(%dma_wait3A_261 : memref<96x128xf32, #tpu.memory_space<hbm>>) dst(%arg18 : memref<96x128xf32, #tpu.memory_space<vmem>>)
        %dma_start3A_262 = arith.constant 0 : i32
        %dma_start3A_263 = arith.constant 0 : i32
        %dma_start3A_264 = tpu.memref_slice %arg15[%dma_start3A_262, %dma_start3A_263] : memref<3x96xi32, #tpu.memory_space<vmem>> -> memref<1x96xi32, #tpu.memory_space<vmem>>
        %dma_start3A_265 = tpu.memref_squeeze %dma_start3A_264 : memref<1x96xi32, #tpu.memory_space<vmem>> -> memref<96xi32, #tpu.memory_space<vmem>>
        %dma_start3A_266 = arith.constant 0 : i32
        %dma_start3A_267 = arith.constant 0 : i32
        %dma_start3A_268 = tpu.memref_slice %arg3[%dma_start3A_266, %dma_start3A_267] : memref<10000x128xf32, #tpu.memory_space<hbm>> -> memref<10000x128xf32, #tpu.memory_space<hbm>>
        tpu.enqueue_indirect_dma source(%dma_start3A_268 : memref<10000x128xf32, #tpu.memory_space<hbm>>) target(%arg18 : memref<96x128xf32, #tpu.memory_space<vmem>>) offsets(%dma_start3A_265 : memref<96xi32, #tpu.memory_space<vmem>>) semaphore(%arg23 : memref<!tpu.dma_semaphore, #tpu.memory_space<semaphore_mem>>)
        %dma_wait3A_269 = arith.constant 0 : i32
        %dma_wait3A_270 = arith.constant 0 : i32
        %dma_wait3A_271 = tpu.memref_slice %arg3[%dma_wait3A_269, %dma_wait3A_270] : memref<10000x128xf32, #tpu.memory_space<hbm>> -> memref<96x128xf32, #tpu.memory_space<hbm>>
        %dma_wait3A_272 = arith.constant 0 : i32
        %dma_wait3A_273 = arith.constant 0 : i32
        %dma_wait3A_274 = tpu.memref_slice %arg3[%dma_wait3A_272, %dma_wait3A_273] : memref<10000x128xf32, #tpu.memory_space<hbm>> -> memref<96x128xf32, #tpu.memory_space<hbm>>
        tpu.wait_dma2 semaphore(%arg27 : memref<!tpu.dma_semaphore, #tpu.memory_space<semaphore_mem>>) src(%dma_wait3A_274 : memref<96x128xf32, #tpu.memory_space<hbm>>) dst(%arg19 : memref<96x128xf32, #tpu.memory_space<vmem>>)
        %dma_start3A_275 = arith.constant 1 : i32
        %dma_start3A_276 = arith.constant 0 : i32
        %dma_start3A_277 = tpu.memref_slice %arg15[%dma_start3A_275, %dma_start3A_276] : memref<3x96xi32, #tpu.memory_space<vmem>> -> memref<1x96xi32, #tpu.memory_space<vmem>>
        %dma_start3A_278 = tpu.memref_squeeze %dma_start3A_277 : memref<1x96xi32, #tpu.memory_space<vmem>> -> memref<96xi32, #tpu.memory_space<vmem>>
        %dma_start3A_279 = arith.constant 0 : i32
        %dma_start3A_280 = arith.constant 0 : i32
        %dma_start3A_281 = tpu.memref_slice %arg3[%dma_start3A_279, %dma_start3A_280] : memref<10000x128xf32, #tpu.memory_space<hbm>> -> memref<10000x128xf32, #tpu.memory_space<hbm>>
        tpu.enqueue_indirect_dma source(%dma_start3A_281 : memref<10000x128xf32, #tpu.memory_space<hbm>>) target(%arg19 : memref<96x128xf32, #tpu.memory_space<vmem>>) offsets(%dma_start3A_278 : memref<96xi32, #tpu.memory_space<vmem>>) semaphore(%arg24 : memref<!tpu.dma_semaphore, #tpu.memory_space<semaphore_mem>>)
        %dma_wait3A_282 = arith.constant 0 : i32
        %dma_wait3A_283 = arith.constant 0 : i32
        %dma_wait3A_284 = tpu.memref_slice %arg3[%dma_wait3A_282, %dma_wait3A_283] : memref<10000x128xf32, #tpu.memory_space<hbm>> -> memref<96x128xf32, #tpu.memory_space<hbm>>
        %dma_wait3A_285 = arith.constant 0 : i32
        %dma_wait3A_286 = arith.constant 0 : i32
        %dma_wait3A_287 = tpu.memref_slice %arg3[%dma_wait3A_285, %dma_wait3A_286] : memref<10000x128xf32, #tpu.memory_space<hbm>> -> memref<96x128xf32, #tpu.memory_space<hbm>>
        tpu.wait_dma2 semaphore(%arg28 : memref<!tpu.dma_semaphore, #tpu.memory_space<semaphore_mem>>) src(%dma_wait3A_287 : memref<96x128xf32, #tpu.memory_space<hbm>>) dst(%arg20 : memref<96x128xf32, #tpu.memory_space<vmem>>)
        %add3A_288 = arith.constant 1 : i32
        %add3A_289 = arith.addi %add3A_243, %add3A_288 : i32
        %mul3A_290 = arith.constant 3 : i32
        %mul3A_291 = arith.muli %add3A_289, %mul3A_290 : i32
        %add3A_292 = arith.addi %mul3A_22, %mul3A_291 : i32
        %dma_start3A_293 = arith.constant 0 : i32
        %dma_start3A_294 = tpu.memref_slice %arg6[%add3A_292, %dma_start3A_293] : memref<3363x96xi32, #tpu.memory_space<hbm>> -> memref<3x96xi32, #tpu.memory_space<hbm>>
        %dma_start3A_295 = arith.constant 0 : i32
        %dma_start3A_296 = tpu.memref_slice %arg6[%add3A_292, %dma_start3A_295] : memref<3363x96xi32, #tpu.memory_space<hbm>> -> memref<3x96xi32, #tpu.memory_space<hbm>>
        tpu.enqueue_dma source(%dma_start3A_296 : memref<3x96xi32, #tpu.memory_space<hbm>>) target(%arg14 : memref<3x96xi32, #tpu.memory_space<vmem>>) target_semaphore(%arg29 : memref<!tpu.dma_semaphore, #tpu.memory_space<semaphore_mem>>)
        %dma_start3A_297 = arith.constant 0 : i32
        %dma_start3A_298 = tpu.memref_slice %arg7[%add3A_292, %dma_start3A_297] : memref<3363x96xi32, #tpu.memory_space<hbm>> -> memref<3x96xi32, #tpu.memory_space<hbm>>
        %dma_start3A_299 = arith.constant 0 : i32
        %dma_start3A_300 = tpu.memref_slice %arg7[%add3A_292, %dma_start3A_299] : memref<3363x96xi32, #tpu.memory_space<hbm>> -> memref<3x96xi32, #tpu.memory_space<hbm>>
        tpu.enqueue_dma source(%dma_start3A_300 : memref<3x96xi32, #tpu.memory_space<hbm>>) target(%arg16 : memref<3x96xi32, #tpu.memory_space<vmem>>) target_semaphore(%arg29 : memref<!tpu.dma_semaphore, #tpu.memory_space<semaphore_mem>>)
        %dma_start3A_301 = arith.constant 2 : i32
        %dma_start3A_302 = arith.constant 0 : i32
        %dma_start3A_303 = tpu.memref_slice %arg15[%dma_start3A_301, %dma_start3A_302] : memref<3x96xi32, #tpu.memory_space<vmem>> -> memref<1x96xi32, #tpu.memory_space<vmem>>
        %dma_start3A_304 = tpu.memref_squeeze %dma_start3A_303 : memref<1x96xi32, #tpu.memory_space<vmem>> -> memref<96xi32, #tpu.memory_space<vmem>>
        %dma_start3A_305 = arith.constant 0 : i32
        %dma_start3A_306 = arith.constant 0 : i32
        %dma_start3A_307 = tpu.memref_slice %arg3[%dma_start3A_305, %dma_start3A_306] : memref<10000x128xf32, #tpu.memory_space<hbm>> -> memref<10000x128xf32, #tpu.memory_space<hbm>>
        tpu.enqueue_indirect_dma source(%dma_start3A_307 : memref<10000x128xf32, #tpu.memory_space<hbm>>) target(%arg20 : memref<96x128xf32, #tpu.memory_space<vmem>>) offsets(%dma_start3A_304 : memref<96xi32, #tpu.memory_space<vmem>>) semaphore(%arg25 : memref<!tpu.dma_semaphore, #tpu.memory_space<semaphore_mem>>)
        %get3A_308 = arith.constant 0 : i32
        %get3A_309 = arith.index_cast %get3A_308 : i32 to index
        %get3A_310 = arith.constant 0 : index
        %get3A_311 = tpu.vector_load %arg17[%get3A_309, %get3A_310] {strides = array<i32>} : memref<3x96xi32, #tpu.memory_space<vmem>>, vector<16xi32>,
        tpu.vector_store_idx %arg21[%get3A_311], %broadcast_in_dim3A_23 {add = true} : memref<10112xf32, #tpu.memory_space<vmem>>[vector<16xi32>], vector<16xf32>,
        %get3A_312 = arith.constant 0 : i32
        %get3A_313 = arith.index_cast %get3A_312 : i32 to index
        %get3A_314 = arith.constant 16 : index
        %get3A_315 = tpu.vector_load %arg17[%get3A_313, %get3A_314] {strides = array<i32>} : memref<3x96xi32, #tpu.memory_space<vmem>>, vector<16xi32>,
        tpu.vector_store_idx %arg21[%get3A_315], %broadcast_in_dim3A_23 {add = true} : memref<10112xf32, #tpu.memory_space<vmem>>[vector<16xi32>], vector<16xf32>,
        %get3A_316 = arith.constant 0 : i32
        %get3A_317 = arith.index_cast %get3A_316 : i32 to index
        %get3A_318 = arith.constant 32 : index
        %get3A_319 = tpu.vector_load %arg17[%get3A_317, %get3A_318] {strides = array<i32>} : memref<3x96xi32, #tpu.memory_space<vmem>>, vector<16xi32>,
        tpu.vector_store_idx %arg21[%get3A_319], %broadcast_in_dim3A_23 {add = true} : memref<10112xf32, #tpu.memory_space<vmem>>[vector<16xi32>], vector<16xf32>,
        %get3A_320 = arith.constant 0 : i32
        %get3A_321 = arith.index_cast %get3A_320 : i32 to index
        %get3A_322 = arith.constant 48 : index
        %get3A_323 = tpu.vector_load %arg17[%get3A_321, %get3A_322] {strides = array<i32>} : memref<3x96xi32, #tpu.memory_space<vmem>>, vector<16xi32>,
        tpu.vector_store_idx %arg21[%get3A_323], %broadcast_in_dim3A_23 {add = true} : memref<10112xf32, #tpu.memory_space<vmem>>[vector<16xi32>], vector<16xf32>,
        %get3A_324 = arith.constant 0 : i32
        %get3A_325 = arith.index_cast %get3A_324 : i32 to index
        %get3A_326 = arith.constant 64 : index
        %get3A_327 = tpu.vector_load %arg17[%get3A_325, %get3A_326] {strides = array<i32>} : memref<3x96xi32, #tpu.memory_space<vmem>>, vector<16xi32>,
        tpu.vector_store_idx %arg21[%get3A_327], %broadcast_in_dim3A_23 {add = true} : memref<10112xf32, #tpu.memory_space<vmem>>[vector<16xi32>], vector<16xf32>,
        %get3A_328 = arith.constant 0 : i32
        %get3A_329 = arith.index_cast %get3A_328 : i32 to index
        %get3A_330 = arith.constant 80 : index
        %get3A_331 = tpu.vector_load %arg17[%get3A_329, %get3A_330] {strides = array<i32>} : memref<3x96xi32, #tpu.memory_space<vmem>>, vector<16xi32>,
        tpu.vector_store_idx %arg21[%get3A_331], %broadcast_in_dim3A_23 {add = true} : memref<10112xf32, #tpu.memory_space<vmem>>[vector<16xi32>], vector<16xf32>,
        %get3A_332 = arith.constant 1 : i32
        %get3A_333 = arith.index_cast %get3A_332 : i32 to index
        %get3A_334 = arith.constant 0 : index
        %get3A_335 = tpu.vector_load %arg17[%get3A_333, %get3A_334] {strides = array<i32>} : memref<3x96xi32, #tpu.memory_space<vmem>>, vector<16xi32>,
        tpu.vector_store_idx %arg21[%get3A_335], %broadcast_in_dim3A_23 {add = true} : memref<10112xf32, #tpu.memory_space<vmem>>[vector<16xi32>], vector<16xf32>,
        %get3A_336 = arith.constant 1 : i32
        %get3A_337 = arith.index_cast %get3A_336 : i32 to index
        %get3A_338 = arith.constant 16 : index
        %get3A_339 = tpu.vector_load %arg17[%get3A_337, %get3A_338] {strides = array<i32>} : memref<3x96xi32, #tpu.memory_space<vmem>>, vector<16xi32>,
        tpu.vector_store_idx %arg21[%get3A_339], %broadcast_in_dim3A_23 {add = true} : memref<10112xf32, #tpu.memory_space<vmem>>[vector<16xi32>], vector<16xf32>,
        %get3A_340 = arith.constant 1 : i32
        %get3A_341 = arith.index_cast %get3A_340 : i32 to index
        %get3A_342 = arith.constant 32 : index
        %get3A_343 = tpu.vector_load %arg17[%get3A_341, %get3A_342] {strides = array<i32>} : memref<3x96xi32, #tpu.memory_space<vmem>>, vector<16xi32>,
        tpu.vector_store_idx %arg21[%get3A_343], %broadcast_in_dim3A_23 {add = true} : memref<10112xf32, #tpu.memory_space<vmem>>[vector<16xi32>], vector<16xf32>,
        %get3A_344 = arith.constant 1 : i32
        %get3A_345 = arith.index_cast %get3A_344 : i32 to index
        %get3A_346 = arith.constant 48 : index
        %get3A_347 = tpu.vector_load %arg17[%get3A_345, %get3A_346] {strides = array<i32>} : memref<3x96xi32, #tpu.memory_space<vmem>>, vector<16xi32>,
        tpu.vector_store_idx %arg21[%get3A_347], %broadcast_in_dim3A_23 {add = true} : memref<10112xf32, #tpu.memory_space<vmem>>[vector<16xi32>], vector<16xf32>,
        %get3A_348 = arith.constant 1 : i32
        %get3A_349 = arith.index_cast %get3A_348 : i32 to index
        %get3A_350 = arith.constant 64 : index
        %get3A_351 = tpu.vector_load %arg17[%get3A_349, %get3A_350] {strides = array<i32>} : memref<3x96xi32, #tpu.memory_space<vmem>>, vector<16xi32>,
        tpu.vector_store_idx %arg21[%get3A_351], %broadcast_in_dim3A_23 {add = true} : memref<10112xf32, #tpu.memory_space<vmem>>[vector<16xi32>], vector<16xf32>,
        %get3A_352 = arith.constant 1 : i32
        %get3A_353 = arith.index_cast %get3A_352 : i32 to index
        %get3A_354 = arith.constant 80 : index
        %get3A_355 = tpu.vector_load %arg17[%get3A_353, %get3A_354] {strides = array<i32>} : memref<3x96xi32, #tpu.memory_space<vmem>>, vector<16xi32>,
        tpu.vector_store_idx %arg21[%get3A_355], %broadcast_in_dim3A_23 {add = true} : memref<10112xf32, #tpu.memory_space<vmem>>[vector<16xi32>], vector<16xf32>,
        %get3A_356 = arith.constant 2 : i32
        %get3A_357 = arith.index_cast %get3A_356 : i32 to index
        %get3A_358 = arith.constant 0 : index
        %get3A_359 = tpu.vector_load %arg17[%get3A_357, %get3A_358] {strides = array<i32>} : memref<3x96xi32, #tpu.memory_space<vmem>>, vector<16xi32>,
        tpu.vector_store_idx %arg21[%get3A_359], %broadcast_in_dim3A_23 {add = true} : memref<10112xf32, #tpu.memory_space<vmem>>[vector<16xi32>], vector<16xf32>,
        %get3A_360 = arith.constant 2 : i32
        %get3A_361 = arith.index_cast %get3A_360 : i32 to index
        %get3A_362 = arith.constant 16 : index
        %get3A_363 = tpu.vector_load %arg17[%get3A_361, %get3A_362] {strides = array<i32>} : memref<3x96xi32, #tpu.memory_space<vmem>>, vector<16xi32>,
        tpu.vector_store_idx %arg21[%get3A_363], %broadcast_in_dim3A_23 {add = true} : memref<10112xf32, #tpu.memory_space<vmem>>[vector<16xi32>], vector<16xf32>,
        %get3A_364 = arith.constant 2 : i32
        %get3A_365 = arith.index_cast %get3A_364 : i32 to index
        %get3A_366 = arith.constant 32 : index
        %get3A_367 = tpu.vector_load %arg17[%get3A_365, %get3A_366] {strides = array<i32>} : memref<3x96xi32, #tpu.memory_space<vmem>>, vector<16xi32>,
        tpu.vector_store_idx %arg21[%get3A_367], %broadcast_in_dim3A_23 {add = true} : memref<10112xf32, #tpu.memory_space<vmem>>[vector<16xi32>], vector<16xf32>,
        %get3A_368 = arith.constant 2 : i32
        %get3A_369 = arith.index_cast %get3A_368 : i32 to index
        %get3A_370 = arith.constant 48 : index
        %get3A_371 = tpu.vector_load %arg17[%get3A_369, %get3A_370] {strides = array<i32>} : memref<3x96xi32, #tpu.memory_space<vmem>>, vector<16xi32>,
        tpu.vector_store_idx %arg21[%get3A_371], %broadcast_in_dim3A_23 {add = true} : memref<10112xf32, #tpu.memory_space<vmem>>[vector<16xi32>], vector<16xf32>,
        %get3A_372 = arith.constant 2 : i32
        %get3A_373 = arith.index_cast %get3A_372 : i32 to index
        %get3A_374 = arith.constant 64 : index
        %get3A_375 = tpu.vector_load %arg17[%get3A_373, %get3A_374] {strides = array<i32>} : memref<3x96xi32, #tpu.memory_space<vmem>>, vector<16xi32>,
        tpu.vector_store_idx %arg21[%get3A_375], %broadcast_in_dim3A_23 {add = true} : memref<10112xf32, #tpu.memory_space<vmem>>[vector<16xi32>], vector<16xf32>,
        %get3A_376 = arith.constant 2 : i32
        %get3A_377 = arith.index_cast %get3A_376 : i32 to index
        %get3A_378 = arith.constant 80 : index
        %get3A_379 = tpu.vector_load %arg17[%get3A_377, %get3A_378] {strides = array<i32>} : memref<3x96xi32, #tpu.memory_space<vmem>>, vector<16xi32>,
        tpu.vector_store_idx %arg21[%get3A_379], %broadcast_in_dim3A_23 {add = true} : memref<10112xf32, #tpu.memory_space<vmem>>[vector<16xi32>], vector<16xf32>,
        %dma_wait3A_380 = arith.constant 0 : i32
        %dma_wait3A_381 = arith.constant 0 : i32
        %dma_wait3A_382 = tpu.memref_slice %arg15[%dma_wait3A_380, %dma_wait3A_381] : memref<3x96xi32, #tpu.memory_space<vmem>> -> memref<1x96xi32, #tpu.memory_space<vmem>>
        %dma_wait3A_383 = tpu.memref_squeeze %dma_wait3A_382 : memref<1x96xi32, #tpu.memory_space<vmem>> -> memref<96xi32, #tpu.memory_space<vmem>>
        %dma_wait3A_384 = arith.constant 0 : i32
        %dma_wait3A_385 = arith.constant 0 : i32
        %dma_wait3A_386 = tpu.memref_slice %arg3[%dma_wait3A_384, %dma_wait3A_385] : memref<10000x128xf32, #tpu.memory_space<hbm>> -> memref<10000x128xf32, #tpu.memory_space<hbm>>
        tpu.wait_indirect_dma semaphore(%arg23 : memref<!tpu.dma_semaphore, #tpu.memory_space<semaphore_mem>>) src(%dma_wait3A_386 : memref<10000x128xf32, #tpu.memory_space<hbm>>) dst(%arg18 : memref<96x128xf32, #tpu.memory_space<vmem>>)
        %dma_start3A_387 = arith.constant 0 : i32
        %dma_start3A_388 = arith.constant 0 : i32
        %dma_start3A_389 = tpu.memref_slice %arg17[%dma_start3A_387, %dma_start3A_388] : memref<3x96xi32, #tpu.memory_space<vmem>> -> memref<1x96xi32, #tpu.memory_space<vmem>>
        %dma_start3A_390 = tpu.memref_squeeze %dma_start3A_389 : memref<1x96xi32, #tpu.memory_space<vmem>> -> memref<96xi32, #tpu.memory_space<vmem>>
        %dma_start3A_391 = arith.constant 0 : i32
        %dma_start3A_392 = arith.constant 0 : i32
        %dma_start3A_393 = tpu.memref_slice %arg22[%dma_start3A_391, %dma_start3A_392] : memref<10112x128xf32, #tpu.memory_space<vmem_shared>> -> memref<10112x128xf32, #tpu.memory_space<vmem_shared>>
        tpu.enqueue_indirect_dma source(%arg18 : memref<96x128xf32, #tpu.memory_space<vmem>>) target(%dma_start3A_393 : memref<10112x128xf32, #tpu.memory_space<vmem_shared>>) offsets(%dma_start3A_390 : memref<96xi32, #tpu.memory_space<vmem>>) semaphore(%arg26 : memref<!tpu.dma_semaphore, #tpu.memory_space<semaphore_mem>>) {add = true}
        %dma_wait3A_394 = arith.constant 1 : i32
        %dma_wait3A_395 = arith.constant 0 : i32
        %dma_wait3A_396 = tpu.memref_slice %arg15[%dma_wait3A_394, %dma_wait3A_395] : memref<3x96xi32, #tpu.memory_space<vmem>> -> memref<1x96xi32, #tpu.memory_space<vmem>>
        %dma_wait3A_397 = tpu.memref_squeeze %dma_wait3A_396 : memref<1x96xi32, #tpu.memory_space<vmem>> -> memref<96xi32, #tpu.memory_space<vmem>>
        %dma_wait3A_398 = arith.constant 0 : i32
        %dma_wait3A_399 = arith.constant 0 : i32
        %dma_wait3A_400 = tpu.memref_slice %arg3[%dma_wait3A_398, %dma_wait3A_399] : memref<10000x128xf32, #tpu.memory_space<hbm>> -> memref<10000x128xf32, #tpu.memory_space<hbm>>
        tpu.wait_indirect_dma semaphore(%arg24 : memref<!tpu.dma_semaphore, #tpu.memory_space<semaphore_mem>>) src(%dma_wait3A_400 : memref<10000x128xf32, #tpu.memory_space<hbm>>) dst(%arg19 : memref<96x128xf32, #tpu.memory_space<vmem>>)
        %dma_start3A_401 = arith.constant 1 : i32
        %dma_start3A_402 = arith.constant 0 : i32
        %dma_start3A_403 = tpu.memref_slice %arg17[%dma_start3A_401, %dma_start3A_402] : memref<3x96xi32, #tpu.memory_space<vmem>> -> memref<1x96xi32, #tpu.memory_space<vmem>>
        %dma_start3A_404 = tpu.memref_squeeze %dma_start3A_403 : memref<1x96xi32, #tpu.memory_space<vmem>> -> memref<96xi32, #tpu.memory_space<vmem>>
        %dma_start3A_405 = arith.constant 0 : i32
        %dma_start3A_406 = arith.constant 0 : i32
        %dma_start3A_407 = tpu.memref_slice %arg22[%dma_start3A_405, %dma_start3A_406] : memref<10112x128xf32, #tpu.memory_space<vmem_shared>> -> memref<10112x128xf32, #tpu.memory_space<vmem_shared>>
        tpu.enqueue_indirect_dma source(%arg19 : memref<96x128xf32, #tpu.memory_space<vmem>>) target(%dma_start3A_407 : memref<10112x128xf32, #tpu.memory_space<vmem_shared>>) offsets(%dma_start3A_404 : memref<96xi32, #tpu.memory_space<vmem>>) semaphore(%arg27 : memref<!tpu.dma_semaphore, #tpu.memory_space<semaphore_mem>>) {add = true}
        %dma_wait3A_408 = arith.constant 2 : i32
        %dma_wait3A_409 = arith.constant 0 : i32
        %dma_wait3A_410 = tpu.memref_slice %arg15[%dma_wait3A_408, %dma_wait3A_409] : memref<3x96xi32, #tpu.memory_space<vmem>> -> memref<1x96xi32, #tpu.memory_space<vmem>>
        %dma_wait3A_411 = tpu.memref_squeeze %dma_wait3A_410 : memref<1x96xi32, #tpu.memory_space<vmem>> -> memref<96xi32, #tpu.memory_space<vmem>>
        %dma_wait3A_412 = arith.constant 0 : i32
        %dma_wait3A_413 = arith.constant 0 : i32
        %dma_wait3A_414 = tpu.memref_slice %arg3[%dma_wait3A_412, %dma_wait3A_413] : memref<10000x128xf32, #tpu.memory_space<hbm>> -> memref<10000x128xf32, #tpu.memory_space<hbm>>
        tpu.wait_indirect_dma semaphore(%arg25 : memref<!tpu.dma_semaphore, #tpu.memory_space<semaphore_mem>>) src(%dma_wait3A_414 : memref<10000x128xf32, #tpu.memory_space<hbm>>) dst(%arg20 : memref<96x128xf32, #tpu.memory_space<vmem>>)
        %dma_start3A_415 = arith.constant 2 : i32
        %dma_start3A_416 = arith.constant 0 : i32
        %dma_start3A_417 = tpu.memref_slice %arg17[%dma_start3A_415, %dma_start3A_416] : memref<3x96xi32, #tpu.memory_space<vmem>> -> memref<1x96xi32, #tpu.memory_space<vmem>>
        %dma_start3A_418 = tpu.memref_squeeze %dma_start3A_417 : memref<1x96xi32, #tpu.memory_space<vmem>> -> memref<96xi32, #tpu.memory_space<vmem>>
        %dma_start3A_419 = arith.constant 0 : i32
        %dma_start3A_420 = arith.constant 0 : i32
        %dma_start3A_421 = tpu.memref_slice %arg22[%dma_start3A_419, %dma_start3A_420] : memref<10112x128xf32, #tpu.memory_space<vmem_shared>> -> memref<10112x128xf32, #tpu.memory_space<vmem_shared>>
        tpu.enqueue_indirect_dma source(%arg20 : memref<96x128xf32, #tpu.memory_space<vmem>>) target(%dma_start3A_421 : memref<10112x128xf32, #tpu.memory_space<vmem_shared>>) offsets(%dma_start3A_418 : memref<96xi32, #tpu.memory_space<vmem>>) semaphore(%arg28 : memref<!tpu.dma_semaphore, #tpu.memory_space<semaphore_mem>>) {add = true}
      }
      %scan3A_35 = arith.constant 35 : i32
      %dma_wait3A = arith.constant 0 : i32
      %dma_wait3A_36 = arith.constant 0 : i32
      %dma_wait3A_37 = tpu.memref_slice %arg6[%dma_wait3A, %dma_wait3A_36] : memref<3363x96xi32, #tpu.memory_space<hbm>> -> memref<3x96xi32, #tpu.memory_space<hbm>>
      %dma_wait3A_38 = arith.constant 0 : i32
      %dma_wait3A_39 = arith.constant 0 : i32
      %dma_wait3A_40 = tpu.memref_slice %arg6[%dma_wait3A_38, %dma_wait3A_39] : memref<3363x96xi32, #tpu.memory_space<hbm>> -> memref<3x96xi32, #tpu.memory_space<hbm>>
      tpu.wait_dma2 semaphore(%arg29 : memref<!tpu.dma_semaphore, #tpu.memory_space<semaphore_mem>>) src(%dma_wait3A_40 : memref<3x96xi32, #tpu.memory_space<hbm>>) dst(%arg14 : memref<3x96xi32, #tpu.memory_space<vmem>>)
      %dma_wait3A_41 = arith.constant 0 : i32
      %dma_wait3A_42 = arith.constant 0 : i32
      %dma_wait3A_43 = tpu.memref_slice %arg6[%dma_wait3A_41, %dma_wait3A_42] : memref<3363x96xi32, #tpu.memory_space<hbm>> -> memref<3x96xi32, #tpu.memory_space<hbm>>
      %dma_wait3A_44 = arith.constant 0 : i32
      %dma_wait3A_45 = arith.constant 0 : i32
      %dma_wait3A_46 = tpu.memref_slice %arg6[%dma_wait3A_44, %dma_wait3A_45] : memref<3363x96xi32, #tpu.memory_space<hbm>> -> memref<3x96xi32, #tpu.memory_space<hbm>>
      tpu.wait_dma2 semaphore(%arg29 : memref<!tpu.dma_semaphore, #tpu.memory_space<semaphore_mem>>) src(%dma_wait3A_46 : memref<3x96xi32, #tpu.memory_space<hbm>>) dst(%arg16 : memref<3x96xi32, #tpu.memory_space<vmem>>)
      %dma_wait3A_47 = arith.constant 0 : i32
      %dma_wait3A_48 = arith.constant 0 : i32
      %dma_wait3A_49 = tpu.memref_slice %arg3[%dma_wait3A_47, %dma_wait3A_48] : memref<10000x128xf32, #tpu.memory_space<hbm>> -> memref<96x128xf32, #tpu.memory_space<hbm>>
      %dma_wait3A_50 = arith.constant 0 : i32
      %dma_wait3A_51 = arith.constant 0 : i32
      %dma_wait3A_52 = tpu.memref_slice %arg3[%dma_wait3A_50, %dma_wait3A_51] : memref<10000x128xf32, #tpu.memory_space<hbm>> -> memref<96x128xf32, #tpu.memory_space<hbm>>
      tpu.wait_dma2 semaphore(%arg26 : memref<!tpu.dma_semaphore, #tpu.memory_space<semaphore_mem>>) src(%dma_wait3A_52 : memref<96x128xf32, #tpu.memory_space<hbm>>) dst(%arg18 : memref<96x128xf32, #tpu.memory_space<vmem>>)
      %dma_wait3A_53 = arith.constant 0 : i32
      %dma_wait3A_54 = arith.constant 0 : i32
      %dma_wait3A_55 = tpu.memref_slice %arg3[%dma_wait3A_53, %dma_wait3A_54] : memref<10000x128xf32, #tpu.memory_space<hbm>> -> memref<96x128xf32, #tpu.memory_space<hbm>>
      %dma_wait3A_56 = arith.constant 0 : i32
      %dma_wait3A_57 = arith.constant 0 : i32
      %dma_wait3A_58 = tpu.memref_slice %arg3[%dma_wait3A_56, %dma_wait3A_57] : memref<10000x128xf32, #tpu.memory_space<hbm>> -> memref<96x128xf32, #tpu.memory_space<hbm>>
      tpu.wait_dma2 semaphore(%arg27 : memref<!tpu.dma_semaphore, #tpu.memory_space<semaphore_mem>>) src(%dma_wait3A_58 : memref<96x128xf32, #tpu.memory_space<hbm>>) dst(%arg19 : memref<96x128xf32, #tpu.memory_space<vmem>>)
      %dma_wait3A_59 = arith.constant 0 : i32
      %dma_wait3A_60 = arith.constant 0 : i32
      %dma_wait3A_61 = tpu.memref_slice %arg3[%dma_wait3A_59, %dma_wait3A_60] : memref<10000x128xf32, #tpu.memory_space<hbm>> -> memref<96x128xf32, #tpu.memory_space<hbm>>
      %dma_wait3A_62 = arith.constant 0 : i32
      %dma_wait3A_63 = arith.constant 0 : i32
      %dma_wait3A_64 = tpu.memref_slice %arg3[%dma_wait3A_62, %dma_wait3A_63] : memref<10000x128xf32, #tpu.memory_space<hbm>> -> memref<96x128xf32, #tpu.memory_space<hbm>>
      tpu.wait_dma2 semaphore(%arg28 : memref<!tpu.dma_semaphore, #tpu.memory_space<semaphore_mem>>) src(%dma_wait3A_64 : memref<96x128xf32, #tpu.memory_space<hbm>>) dst(%arg20 : memref<96x128xf32, #tpu.memory_space<vmem>>)
    } else {
    }
    %barrier3A_10 = arith.constant 0 : index
    tpu.barrier barrier_id(%barrier3A_10)
    %eq3A_11 = arith.constant 0 : i32
    %eq3A_12 = arith.cmpi eq, %arg0, %eq3A_11 : i32
    %convert_element_type3A_13 = arith.extui %eq3A_12 : i1 to i32
    %cond3A_14 = arith.constant 0 : i32
    %cond3A_15 = arith.cmpi ne, %convert_element_type3A_13, %cond3A_14 : i32
    scf.if %cond3A_15 {
      %mul3A_21 = arith.constant 632 : i32
      %mul3A_22 = arith.muli %arg1, %mul3A_21 : i32
      %mul3A_23 = arith.constant 632 : i32
      %mul3A_24 = arith.muli %arg1, %mul3A_23 : i32
      "tpu.region"() ({
        %run_scoped3A = tpu.sem_alloc : memref<!tpu.dma_semaphore, #tpu.memory_space<semaphore_mem>>
        %dma_start3A = arith.constant 0 : i32
        %dma_start3A_25 = tpu.memref_slice %arg10[%mul3A_24, %dma_start3A] : memref<10112x128xf32, #tpu.memory_space<hbm>> -> memref<632x128xf32, #tpu.memory_space<hbm>>
        %dma_start3A_26 = arith.constant 0 : i32
        %dma_start3A_27 = tpu.memref_slice %arg22[%mul3A_22, %dma_start3A_26] : memref<10112x128xf32, #tpu.memory_space<vmem_shared>> -> memref<632x128xf32, #tpu.memory_space<vmem_shared>>
        tpu.enqueue_dma source(%dma_start3A_27 : memref<632x128xf32, #tpu.memory_space<vmem_shared>>) target(%dma_start3A_25 : memref<632x128xf32, #tpu.memory_space<hbm>>) target_semaphore(%run_scoped3A : memref<!tpu.dma_semaphore, #tpu.memory_space<semaphore_mem>>)
        %dma_wait3A = arith.constant 0 : i32
        %dma_wait3A_28 = tpu.memref_slice %arg10[%mul3A_24, %dma_wait3A] : memref<10112x128xf32, #tpu.memory_space<hbm>> -> memref<632x128xf32, #tpu.memory_space<hbm>>
        %dma_wait3A_29 = arith.constant 0 : i32
        %dma_wait3A_30 = tpu.memref_slice %arg22[%mul3A_22, %dma_wait3A_29] : memref<10112x128xf32, #tpu.memory_space<vmem_shared>> -> memref<632x128xf32, #tpu.memory_space<vmem_shared>>
        tpu.wait_dma2 semaphore(%run_scoped3A : memref<!tpu.dma_semaphore, #tpu.memory_space<semaphore_mem>>) src(%dma_wait3A_30 : memref<632x128xf32, #tpu.memory_space<vmem_shared>>) dst(%dma_wait3A_28 : memref<632x128xf32, #tpu.memory_space<hbm>>)
        tpu.yield
      }) : () -> ()
      "tpu.region"() ({
        %run_scoped3A = tpu.sem_alloc : memref<!tpu.dma_semaphore, #tpu.memory_space<semaphore_mem>>
        %dma_start3A = arith.constant 0 : i32
        %dma_start3A_25 = tpu.memref_slice %arg12[%arg1, %dma_start3A] : memref<16x10112xf32, #tpu.memory_space<hbm>> -> memref<1x10112xf32, #tpu.memory_space<hbm>>
        %dma_start3A_26 = tpu.memref_squeeze %dma_start3A_25 : memref<1x10112xf32, #tpu.memory_space<hbm>> -> memref<10112xf32, #tpu.memory_space<hbm>>
        %dma_start3A_27 = arith.constant 0 : i32
        %dma_start3A_28 = tpu.memref_slice %arg12[%arg1, %dma_start3A_27] : memref<16x10112xf32, #tpu.memory_space<hbm>> -> memref<1x10112xf32, #tpu.memory_space<hbm>>
        %dma_start3A_29 = tpu.memref_squeeze %dma_start3A_28 : memref<1x10112xf32, #tpu.memory_space<hbm>> -> memref<10112xf32, #tpu.memory_space<hbm>>
        tpu.enqueue_dma source(%arg21 : memref<10112xf32, #tpu.memory_space<vmem>>) target(%dma_start3A_29 : memref<10112xf32, #tpu.memory_space<hbm>>) target_semaphore(%run_scoped3A : memref<!tpu.dma_semaphore, #tpu.memory_space<semaphore_mem>>)
        %dma_wait3A = arith.constant 0 : i32
        %dma_wait3A_30 = tpu.memref_slice %arg12[%arg1, %dma_wait3A] : memref<16x10112xf32, #tpu.memory_space<hbm>> -> memref<1x10112xf32, #tpu.memory_space<hbm>>
        %dma_wait3A_31 = tpu.memref_squeeze %dma_wait3A_30 : memref<1x10112xf32, #tpu.memory_space<hbm>> -> memref<10112xf32, #tpu.memory_space<hbm>>
        %dma_wait3A_32 = arith.constant 0 : i32
        %dma_wait3A_33 = tpu.memref_slice %arg12[%arg1, %dma_wait3A_32] : memref<16x10112xf32, #tpu.memory_space<hbm>> -> memref<1x10112xf32, #tpu.memory_space<hbm>>
        %dma_wait3A_34 = tpu.memref_squeeze %dma_wait3A_33 : memref<1x10112xf32, #tpu.memory_space<hbm>> -> memref<10112xf32, #tpu.memory_space<hbm>>
        tpu.wait_dma2 semaphore(%run_scoped3A : memref<!tpu.dma_semaphore, #tpu.memory_space<semaphore_mem>>) src(%arg21 : memref<10112xf32, #tpu.memory_space<vmem>>) dst(%dma_wait3A_34 : memref<10112xf32, #tpu.memory_space<hbm>>)
        tpu.yield
      }) : () -> ()
    } else {
    }
    %eq3A_16 = arith.constant 1 : i32
    %eq3A_17 = arith.cmpi eq, %arg0, %eq3A_16 : i32
    %convert_element_type3A_18 = arith.extui %eq3A_17 : i1 to i32
    %cond3A_19 = arith.constant 0 : i32
    %cond3A_20 = arith.cmpi ne, %convert_element_type3A_18, %cond3A_19 : i32
    scf.if %cond3A_20 {
      %mul3A_21 = arith.constant 632 : i32
      %mul3A_22 = arith.muli %arg1, %mul3A_21 : i32
      %mul3A_23 = arith.constant 632 : i32
      %mul3A_24 = arith.muli %arg1, %mul3A_23 : i32
      "tpu.region"() ({
        %run_scoped3A = tpu.sem_alloc : memref<!tpu.dma_semaphore, #tpu.memory_space<semaphore_mem>>
        %dma_start3A = arith.constant 0 : i32
        %dma_start3A_25 = tpu.memref_slice %arg11[%mul3A_24, %dma_start3A] : memref<10112x128xf32, #tpu.memory_space<hbm>> -> memref<632x128xf32, #tpu.memory_space<hbm>>
        %dma_start3A_26 = arith.constant 0 : i32
        %dma_start3A_27 = tpu.memref_slice %arg22[%mul3A_22, %dma_start3A_26] : memref<10112x128xf32, #tpu.memory_space<vmem_shared>> -> memref<632x128xf32, #tpu.memory_space<vmem_shared>>
        tpu.enqueue_dma source(%dma_start3A_27 : memref<632x128xf32, #tpu.memory_space<vmem_shared>>) target(%dma_start3A_25 : memref<632x128xf32, #tpu.memory_space<hbm>>) target_semaphore(%run_scoped3A : memref<!tpu.dma_semaphore, #tpu.memory_space<semaphore_mem>>)
        %dma_wait3A = arith.constant 0 : i32
        %dma_wait3A_28 = tpu.memref_slice %arg11[%mul3A_24, %dma_wait3A] : memref<10112x128xf32, #tpu.memory_space<hbm>> -> memref<632x128xf32, #tpu.memory_space<hbm>>
        %dma_wait3A_29 = arith.constant 0 : i32
        %dma_wait3A_30 = tpu.memref_slice %arg22[%mul3A_22, %dma_wait3A_29] : memref<10112x128xf32, #tpu.memory_space<vmem_shared>> -> memref<632x128xf32, #tpu.memory_space<vmem_shared>>
        tpu.wait_dma2 semaphore(%run_scoped3A : memref<!tpu.dma_semaphore, #tpu.memory_space<semaphore_mem>>) src(%dma_wait3A_30 : memref<632x128xf32, #tpu.memory_space<vmem_shared>>) dst(%dma_wait3A_28 : memref<632x128xf32, #tpu.memory_space<hbm>>)
        tpu.yield
      }) : () -> ()
      "tpu.region"() ({
        %run_scoped3A = tpu.sem_alloc : memref<!tpu.dma_semaphore, #tpu.memory_space<semaphore_mem>>
        %dma_start3A = arith.constant 0 : i32
        %dma_start3A_25 = tpu.memref_slice %arg13[%arg1, %dma_start3A] : memref<16x10112xf32, #tpu.memory_space<hbm>> -> memref<1x10112xf32, #tpu.memory_space<hbm>>
        %dma_start3A_26 = tpu.memref_squeeze %dma_start3A_25 : memref<1x10112xf32, #tpu.memory_space<hbm>> -> memref<10112xf32, #tpu.memory_space<hbm>>
        %dma_start3A_27 = arith.constant 0 : i32
        %dma_start3A_28 = tpu.memref_slice %arg13[%arg1, %dma_start3A_27] : memref<16x10112xf32, #tpu.memory_space<hbm>> -> memref<1x10112xf32, #tpu.memory_space<hbm>>
        %dma_start3A_29 = tpu.memref_squeeze %dma_start3A_28 : memref<1x10112xf32, #tpu.memory_space<hbm>> -> memref<10112xf32, #tpu.memory_space<hbm>>
        tpu.enqueue_dma source(%arg21 : memref<10112xf32, #tpu.memory_space<vmem>>) target(%dma_start3A_29 : memref<10112xf32, #tpu.memory_space<hbm>>) target_semaphore(%run_scoped3A : memref<!tpu.dma_semaphore, #tpu.memory_space<semaphore_mem>>)
        %dma_wait3A = arith.constant 0 : i32
        %dma_wait3A_30 = tpu.memref_slice %arg13[%arg1, %dma_wait3A] : memref<16x10112xf32, #tpu.memory_space<hbm>> -> memref<1x10112xf32, #tpu.memory_space<hbm>>
        %dma_wait3A_31 = tpu.memref_squeeze %dma_wait3A_30 : memref<1x10112xf32, #tpu.memory_space<hbm>> -> memref<10112xf32, #tpu.memory_space<hbm>>
        %dma_wait3A_32 = arith.constant 0 : i32
        %dma_wait3A_33 = tpu.memref_slice %arg13[%arg1, %dma_wait3A_32] : memref<16x10112xf32, #tpu.memory_space<hbm>> -> memref<1x10112xf32, #tpu.memory_space<hbm>>
        %dma_wait3A_34 = tpu.memref_squeeze %dma_wait3A_33 : memref<1x10112xf32, #tpu.memory_space<hbm>> -> memref<10112xf32, #tpu.memory_space<hbm>>
        tpu.wait_dma2 semaphore(%run_scoped3A : memref<!tpu.dma_semaphore, #tpu.memory_space<semaphore_mem>>) src(%arg21 : memref<10112xf32, #tpu.memory_space<vmem>>) dst(%dma_wait3A_34 : memref<10112xf32, #tpu.memory_space<hbm>>)
        tpu.yield
      }) : () -> ()
    } else {
    }
    return
  }
}

module attributes {stable_mosaic.version = 14 : i64} {
  func.func @_tc_body(%arg0: memref<10112x128xf32, #tpu.memory_space<vmem>>, %arg1: memref<10112x128xf32, #tpu.memory_space<vmem>>, %arg2: memref<16x10112xf32, #tpu.memory_space<vmem>>, %arg3: memref<16x10112xf32, #tpu.memory_space<vmem>>, %arg4: memref<10000x128xf32, #tpu.memory_space<vmem>>, %arg5: memref<10000x128xf32, #tpu.memory_space<vmem>>, %arg6: memref<128x128xf32, #tpu.memory_space<vmem>>, %arg7: memref<128x128xf32, #tpu.memory_space<vmem>>, %arg8: memref<1x128xf32, #tpu.memory_space<vmem>>, %arg9: memref<128x128xf32, #tpu.memory_space<vmem>>, %arg10: memref<128x128xf32, #tpu.memory_space<vmem>>, %arg11: memref<1x128xf32, #tpu.memory_space<vmem>>, %arg12: memref<2x10000x128xf32, #tpu.memory_space<vmem>>) attributes {dimension_semantics = [], scalar_prefetch = 0 : i64, scratch_operands = 0 : i64, tpu.core_type = #tpu.core_type<tc>} {
    %get3A = arith.constant 0 : index
    %get3A_0 = arith.constant 0 : index
    %get3A_1 = vector.load %arg0[%get3A, %get3A_0] : memref<10112x128xf32, #tpu.memory_space<vmem>>, vector<10000x128xf32>
    %get3A_2 = arith.constant 0 : index
    %get3A_3 = arith.constant 0 : index
    %get3A_4 = vector.load %arg2[%get3A_2, %get3A_3] : memref<16x10112xf32, #tpu.memory_space<vmem>>, vector<16x10112xf32>
    %reduce_sum3A = arith.constant dense<0.000000e+00> : vector<10112xf32>
    %reduce_sum3A_5 = vector.multi_reduction <add>, %get3A_4, %reduce_sum3A [0] : vector<16x10112xf32> to vector<10112xf32>
    %slice3A = vector.extract_strided_slice %reduce_sum3A_5 {offsets = [0], sizes = [10000], strides = [1]} : vector<10112xf32> to vector<10000xf32>
    %broadcast_in_dim3A = vector.shape_cast %slice3A : vector<10000xf32> to vector<10000x1xf32>
    %max3A = arith.constant 1.000000e+00 : f32
    %max3A_6 = vector.broadcast %max3A : f32 to vector<10000x1xf32>
    %max3A_7 = arith.maximumf %broadcast_in_dim3A, %max3A_6 : vector<10000x1xf32>
    %div3A = vector.broadcast %max3A_7 : vector<10000x1xf32> to vector<10000x128xf32>
    %div3A_8 = arith.divf %get3A_1, %div3A : vector<10000x128xf32>
    %get3A_9 = arith.constant 0 : index
    %get3A_10 = arith.constant 0 : index
    %get3A_11 = vector.load %arg6[%get3A_9, %get3A_10] : memref<128x128xf32, #tpu.memory_space<vmem>>, vector<128x128xf32>
    %dot_general3A = arith.constant dense<0.000000e+00> : vector<10000x128xf32>
    %dot_general3A_12 = tpu.matmul %div3A_8, %get3A_11, %dot_general3A {dimension_numbers = #tpu.dot_dimension_numbers<[1], [0], [0], [1], [0, 0, 1, 1], [], []>, transpose_lhs_hint = false} : vector<10000x128xf32>, vector<128x128xf32>, vector<10000x128xf32> -> vector<10000x128xf32>
    %get3A_13 = arith.constant 0 : index
    %get3A_14 = arith.constant 0 : index
    %get3A_15 = vector.load %arg4[%get3A_13, %get3A_14] : memref<10000x128xf32, #tpu.memory_space<vmem>>, vector<10000x128xf32>
    %get3A_16 = arith.constant 0 : index
    %get3A_17 = arith.constant 0 : index
    %get3A_18 = vector.load %arg7[%get3A_16, %get3A_17] : memref<128x128xf32, #tpu.memory_space<vmem>>, vector<128x128xf32>
    %dot_general3A_19 = arith.constant dense<0.000000e+00> : vector<10000x128xf32>
    %dot_general3A_20 = tpu.matmul %get3A_15, %get3A_18, %dot_general3A_19 {dimension_numbers = #tpu.dot_dimension_numbers<[1], [0], [0], [1], [0, 0, 1, 1], [], []>, transpose_lhs_hint = false} : vector<10000x128xf32>, vector<128x128xf32>, vector<10000x128xf32> -> vector<10000x128xf32>
    %add3A = arith.addf %dot_general3A_12, %dot_general3A_20 : vector<10000x128xf32>
    %get3A_21 = arith.constant 0 : index
    %get3A_22 = arith.constant 0 : index
    %get3A_23 = vector.load %arg8[%get3A_21, %get3A_22] : memref<1x128xf32, #tpu.memory_space<vmem>>, vector<1x128xf32>
    %add3A_24 = vector.broadcast %get3A_23 : vector<1x128xf32> to vector<10000x128xf32>
    %add3A_25 = arith.addf %add3A, %add3A_24 : vector<10000x128xf32>
    %swap3A = arith.constant 0 : index
    %swap3A_26 = arith.constant 0 : index
    %swap3A_27 = arith.constant 0 : index
    %swap3A_28 = vector.load %arg12[%swap3A, %swap3A_26, %swap3A_27] : memref<2x10000x128xf32, #tpu.memory_space<vmem>>, vector<1x10000x128xf32>
    %swap3A_29 = vector.shape_cast %swap3A_28 : vector<1x10000x128xf32> to vector<10000x128xf32>
    %swap3A_30 = vector.shape_cast %add3A_25 : vector<10000x128xf32> to vector<1x10000x128xf32>
    tpu.vector_store %arg12[%swap3A, %swap3A_26, %swap3A_27], %swap3A_30 {strides = array<i32>} : memref<2x10000x128xf32, #tpu.memory_space<vmem>>, vector<1x10000x128xf32>,
    %get3A_31 = arith.constant 0 : index
    %get3A_32 = arith.constant 0 : index
    %get3A_33 = vector.load %arg1[%get3A_31, %get3A_32] : memref<10112x128xf32, #tpu.memory_space<vmem>>, vector<10000x128xf32>
    %get3A_34 = arith.constant 0 : index
    %get3A_35 = arith.constant 0 : index
    %get3A_36 = vector.load %arg3[%get3A_34, %get3A_35] : memref<16x10112xf32, #tpu.memory_space<vmem>>, vector<16x10112xf32>
    %reduce_sum3A_37 = arith.constant dense<0.000000e+00> : vector<10112xf32>
    %reduce_sum3A_38 = vector.multi_reduction <add>, %get3A_36, %reduce_sum3A_37 [0] : vector<16x10112xf32> to vector<10112xf32>
    %slice3A_39 = vector.extract_strided_slice %reduce_sum3A_38 {offsets = [0], sizes = [10000], strides = [1]} : vector<10112xf32> to vector<10000xf32>
    %broadcast_in_dim3A_40 = vector.shape_cast %slice3A_39 : vector<10000xf32> to vector<10000x1xf32>
    %max3A_41 = arith.constant 1.000000e+00 : f32
    %max3A_42 = vector.broadcast %max3A_41 : f32 to vector<10000x1xf32>
    %max3A_43 = arith.maximumf %broadcast_in_dim3A_40, %max3A_42 : vector<10000x1xf32>
    %div3A_44 = vector.broadcast %max3A_43 : vector<10000x1xf32> to vector<10000x128xf32>
    %div3A_45 = arith.divf %get3A_33, %div3A_44 : vector<10000x128xf32>
    %get3A_46 = arith.constant 0 : index
    %get3A_47 = arith.constant 0 : index
    %get3A_48 = vector.load %arg9[%get3A_46, %get3A_47] : memref<128x128xf32, #tpu.memory_space<vmem>>, vector<128x128xf32>
    %dot_general3A_49 = arith.constant dense<0.000000e+00> : vector<10000x128xf32>
    %dot_general3A_50 = tpu.matmul %div3A_45, %get3A_48, %dot_general3A_49 {dimension_numbers = #tpu.dot_dimension_numbers<[1], [0], [0], [1], [0, 0, 1, 1], [], []>, transpose_lhs_hint = false} : vector<10000x128xf32>, vector<128x128xf32>, vector<10000x128xf32> -> vector<10000x128xf32>
    %get3A_51 = arith.constant 0 : index
    %get3A_52 = arith.constant 0 : index
    %get3A_53 = vector.load %arg5[%get3A_51, %get3A_52] : memref<10000x128xf32, #tpu.memory_space<vmem>>, vector<10000x128xf32>
    %get3A_54 = arith.constant 0 : index
    %get3A_55 = arith.constant 0 : index
    %get3A_56 = vector.load %arg10[%get3A_54, %get3A_55] : memref<128x128xf32, #tpu.memory_space<vmem>>, vector<128x128xf32>
    %dot_general3A_57 = arith.constant dense<0.000000e+00> : vector<10000x128xf32>
    %dot_general3A_58 = tpu.matmul %get3A_53, %get3A_56, %dot_general3A_57 {dimension_numbers = #tpu.dot_dimension_numbers<[1], [0], [0], [1], [0, 0, 1, 1], [], []>, transpose_lhs_hint = false} : vector<10000x128xf32>, vector<128x128xf32>, vector<10000x128xf32> -> vector<10000x128xf32>
    %add3A_59 = arith.addf %dot_general3A_50, %dot_general3A_58 : vector<10000x128xf32>
    %get3A_60 = arith.constant 0 : index
    %get3A_61 = arith.constant 0 : index
    %get3A_62 = vector.load %arg11[%get3A_60, %get3A_61] : memref<1x128xf32, #tpu.memory_space<vmem>>, vector<1x128xf32>
    %add3A_63 = vector.broadcast %get3A_62 : vector<1x128xf32> to vector<10000x128xf32>
    %add3A_64 = arith.addf %add3A_59, %add3A_63 : vector<10000x128xf32>
    %swap3A_65 = arith.constant 1 : index
    %swap3A_66 = arith.constant 0 : index
    %swap3A_67 = arith.constant 0 : index
    %swap3A_68 = vector.load %arg12[%swap3A_65, %swap3A_66, %swap3A_67] : memref<2x10000x128xf32, #tpu.memory_space<vmem>>, vector<1x10000x128xf32>
    %swap3A_69 = vector.shape_cast %swap3A_68 : vector<1x10000x128xf32> to vector<10000x128xf32>
    %swap3A_70 = vector.shape_cast %add3A_64 : vector<10000x128xf32> to vector<1x10000x128xf32>
    tpu.vector_store %arg12[%swap3A_65, %swap3A_66, %swap3A_67], %swap3A_70 {strides = array<i32>} : memref<2x10000x128xf32, #tpu.memory_space<vmem>>, vector<1x10000x128xf32>,
    return
  }
}

</mosaic_0001>

<sc_bundles>
// kernel: kernel.4.cloned.1.call-start
scs
__scs_entry_jumppad:
0x0: {  	(pc) =	sbr.rel $0x88, $3  }
0x1: {  	(tag) =	ssettag $0x0;
	lr =	simm.s32 $0x1  }
0x2: {  	[smem:$0x3F97] =	sst lr;
	_ =	strace $0xD0000000  }
0x3: {  	_ = 	snop  }
0x4: {  	_ = 	snop  }
0x5: {  	_ = 	snop  }
0x6: {  	_ = 	snop  }
0x7: {  	_ = 	snop  }
__scs_overlays_trampoline_lowered:
0x8: {  	[smem:$0x3FA6] =	sst s0  }
0x9: {  	[smem:$0x3FA7] =	sst s1  }
0xa: {  	[smem:$0x3FA8] =	sst s2  }
0xb: {  	[smem:$0x3FA9] =	sst s3  }
0xc: {  	[smem:$0x3FAA] =	sst s4  }
0xd: {  	[smem:$0x3FAB] =	sst s5  }
0xe: {  	[smem:$0x3FAC] =	sst s6  }
0xf: {  	[smem:$0x3FAD] =	sst s7  }
0x10: {  	[smem:$0x3FAE] =	sst s8  }
0x11: {  	[smem:$0x3FAF] =	sst s9;
	s0 =	simm.s32 @!p0 $0x0  }
0x12: {  	s1 =	sld [smem:$0x3F95];
	s0 =	simm.s32 @p0 $0x1  }
0x13: {  	[smem:$0x3FB0] =	sst s0;
	s0 =	simm.s32 @!p1 $0x0  }
0x14: {  	s2 =	sld [smem:$0x3F94];
	s0 =	simm.s32 @p1 $0x1  }
0x15: {  	[smem:$0x3FB1] =	sst s0;
	s0 =	simm.s32 @!p2 $0x0  }
0x16: {  	s3 =	sld [smem:$0x3FDB];
	s0 =	simm.s32 @p2 $0x1  }
0x17: {  	s4 =	simm.s32 $0x1BF5;
	[smem:$0x3FB3] =	sst s0  }
0x18: {  	s0 =	sld [smem:$0x3F96];
	_ =	swait.ge [sflag:s4], $0x0  }
0x19: {  	s7 =	sld [smem:$0x3F97]  }
0x1a: {  	s8 =	sadd.s32 $0xFFFFE003, lr  }
0x1b: {  	s9 =	sadd.s32 $0xFFFFFEF7, lr;
	s5 =	simm.s32 $0xFFFFFFFF;
	p2 =	slt.u32 s8, $0xFFFFF086  }
0x1c: {  	p1 =	slt.u32 s9, $0xF7A;
	s5 =	simm.s32 @!p2 $0x0  }
0x1d: {  	s5 =	simm.s32 @p1 $0x1;
	p0 =	seq.s32 s7, s2  }
0x1e: {  	s7 =	smul.u32 @!p0 $0xF7A, s2;
	p2 =	seq.s32 @!p0 s5, $0x0  }
0x1f: {  	s9 =	smul.u32 $0xF7A, s1;
	s8 =	simm.s32 @!p0 $0x1BF5;
	p2 =	por !p2, p0  }
0x20: {  	[sflag:s8] =	ssyncset.s32 @!p0 $0xFFFFF086;
	s6 =	sadd.s32 @!p0 s3, s7;
	s7 =	simm.s32 @!p0 $0x108  }
0x21: {  	s3 =	sadd.s32 s3, s9;
	s6 =	sadd.s32 @!p0 $0x88, s6;
	s7 =	simm.s32 @p2 $0x1082  }
0x22: {  	[simem:s7], [sflag:s8] =	dma.local @!p0 [hbm:s6], $0xF7A  }
0x23: {  	s9 =	sor.u32 $0xD0000000, s2;
	s6 =	simm.s32 $0x108;
	_ =	swait.ge @!p0 [sflag:s8], $0x0  }
0x24: {  	s3 =	sadd.s32 $0x88, s3;
	s6 =	simm.s32 @!p1 $0x1082;
	[sflag:s4] =	ssyncset.s32 $0xFFFFF086  }
0x25: {  	[simem:s6], [sflag:s4] =	dma.local [hbm:s3], $0xF7A  }
0x26: {  	[smem:$0x3F97] =	sst s1;
	(tag) =	ssettag s2;
	_ =	strace s9  }
0x27: {  	s1 =	sld [smem:$0x3FA7]  }
0x28: {  	s2 =	sld [smem:$0x3FA8]  }
0x29: {  	s4 =	sld [smem:$0x3FAA]  }
0x2a: {  	p0 =	seq.s32 s5, $0x0;
	s5 =	sld [smem:$0x3FAB]  }
0x2b: {  	s6 =	sld [smem:$0x3FAC]  }
0x2c: {  	s7 =	sld [smem:$0x3FAD]  }
0x2d: {  	s3 =	simm.s32 $0x108;
	s8 =	sld [smem:$0x3FAE]  }
0x2e: {  	s3 =	simm.s32 @!p0 $0x1082;
	s9 =	sld [smem:$0x3FAF]  }
0x2f: {  	lr =	sadd.s32 s0, s3;
	s0 =	sld [smem:$0x3FA6]  }
0x30: {  	s3 =	sld [smem:$0x3FA9]  }
0x31: {  	[smem:$0x3FB2] =	sst s10  }
0x32: {  	s10 =	sld [smem:$0x3FB0];
	_ =	sdelay $0x3  }
0x33: {  	p0 =	seq.s32 s10, $0x1;
	s10 =	sld [smem:$0x3FB2];
	_ =	sdelay $0x3  }
0x34: {  	[smem:$0x3FB2] =	sst s10  }
0x35: {  	s10 =	sld [smem:$0x3FB1];
	_ =	sdelay $0x3  }
0x36: {  	p1 =	seq.s32 s10, $0x1;
	s10 =	sld [smem:$0x3FB2];
	_ =	sdelay $0x3  }
0x37: {  	[smem:$0x3FB2] =	sst s10  }
0x38: {  	s10 =	sld [smem:$0x3FB3]  }
0x39: {  	_ = 	snop;
	(pc) =	sbr.ind lr, $3  }
0x3a: {  	_ = 	snop  }
0x3b: {  	_ = 	snop  }
0x3c: {  	p2 =	seq.s32 s10, $0x1;
	s10 =	sld [smem:$0x3FB2]  }
0x3d: {  	_ =	shalt  }
0x3e: {  	_ =	shalt  }
0x3f: {  	_ =	shalt  }
0x40: {  	_ =	shalt  }
0x41: {  	_ =	shalt  }
0x42: {  	_ =	shalt  }
0x43: {  	_ =	shalt  }
0x44: {  	_ =	shalt  }
0x45: {  	_ =	shalt  }
0x46: {  	_ =	shalt  }
0x47: {  	_ =	shalt  }
0x48: {  	_ =	shalt  }
0x49: {  	_ =	shalt  }
0x4a: {  	_ =	shalt  }
0x4b: {  	_ =	shalt  }
0x4c: {  	_ =	shalt  }
0x4d: {  	_ =	shalt  }
0x4e: {  	_ =	shalt  }
0x4f: {  	_ =	shalt  }
0x50: {  	_ =	shalt  }
0x51: {  	_ =	shalt  }
0x52: {  	_ =	shalt  }
0x53: {  	_ =	shalt  }
0x54: {  	_ =	shalt  }
0x55: {  	_ =	shalt  }
0x56: {  	_ =	shalt  }
0x57: {  	_ =	shalt  }
0x58: {  	_ =	shalt  }
0x59: {  	_ =	shalt  }
0x5a: {  	_ =	shalt  }
0x5b: {  	_ =	shalt  }
0x5c: {  	_ =	shalt  }
0x5d: {  	_ =	shalt  }
0x5e: {  	_ =	shalt  }
0x5f: {  	_ =	shalt  }
0x60: {  	_ =	shalt  }
0x61: {  	_ =	shalt  }
0x62: {  	_ =	shalt  }
0x63: {  	_ =	shalt  }
0x64: {  	_ =	shalt  }
0x65: {  	_ =	shalt  }
0x66: {  	_ =	shalt  }
0x67: {  	_ =	shalt  }
0x68: {  	_ =	shalt  }
0x69: {  	_ =	shalt  }
0x6a: {  	_ =	shalt  }
0x6b: {  	_ =	shalt  }
0x6c: {  	_ =	shalt  }
0x6d: {  	_ =	shalt  }
0x6e: {  	_ =	shalt  }
0x6f: {  	_ =	shalt  }
0x70: {  	_ =	shalt  }
0x71: {  	_ =	shalt  }
0x72: {  	_ =	shalt  }
0x73: {  	_ =	shalt  }
0x74: {  	_ =	shalt  }
0x75: {  	_ =	shalt  }
0x76: {  	_ =	shalt  }
0x77: {  	_ =	shalt  }
0x78: {  	_ =	shalt  }
0x79: {  	_ =	shalt  }
0x7a: {  	_ =	shalt  }
0x7b: {  	_ =	shalt  }
0x7c: {  	_ =	shalt  }
0x7d: {  	_ =	shalt  }
0x7e: {  	_ =	shalt  }
0x7f: {  	_ =	shalt  }
0x80: {  	_ =	shalt  }
0x81: {  	_ =	shalt  }
0x82: {  	_ =	shalt  }
0x83: {  	_ =	shalt  }
0x84: {  	_ =	shalt  }
0x85: {  	_ =	shalt  }
0x86: {  	_ =	shalt  }
0x87: {  	_ =	shalt  }
.Lfunc_end0:
.L_simem_size_0:
called_computation_lowered:
.L_overlay_start_0:
0x88: {  	s2 =	sld [smem:$0x3FD9]  }
0x89: {  	s3 =	sld [smem:$0x3FFE];
	_ =	sdelay $0x1  }
0x8a: {  	s1 =	srdreg.scid  }
0x8b: {  	s0 =	sand.u32 $0x1, s1  }
0x8c: {  	s17 =	sshll.u32 s0, $0xA;
	s2 =	sadd.s32 s3, s2  }
0x8d: {  	s2 =	sadd.s32 s2, s17  }
0x8e: {  	[smem:$0x3FBE] =	sst s2  }
0x8f: {  	_ = 	snop  }
0x90: {  	s2 =	sld [smem:$0x3FC9]  }
0x91: {  	s18 =	sld [smem:$0x3FC8]  }
0x92: {  	s4 =	sld [smem:$0x3FD0];
	(tm) =	ssettm $0x1  }
0x93: {  	s5 =	sld [smem:$0x3FFB];
	_ =	sdelay $0x3  }
0x94: {  	_ =	strace s5  }
0x95: {  	s5 =	sld [smem:$0x3FFC];
	_ =	sdelay $0x3  }
0x96: {  	_ =	strace s5  }
0x97: {  	s5 =	sld [smem:$0x3FFD];
	_ =	sdelay $0x3  }
0x98: {  	_ =	strace s5  }
0x99: {  	_ =	strace $0x8FFFFFFF  }
0x9a: {  	s19 =	sld [smem:$0x3FDB];
	_ =	sdelay $0x1  }
0x9b: {  	s6 =	simm.s32 $_scs_section_size  }
0x9c: {  	s7 =	simm.s32 $_size__tile_overlayer_lowered;
	s8 =	simm.s32 $_tile_overlayer_lowered  }
0x9d: {  	s22 =	simm.s32 $0x1BFF;
	s21 =	sshll.u32 s8, $0x1;
	s5 =	sadd.s32 s6, s19  }
0x9e: {  	s9 =	simm.s32 $0x0;
	s20 =	sshll.u32 s7, $0x1;
	s7 =	sadd.s32 s21, s5  }
0x9f: {  	[timem:s9], [sflag:s22] =	dma.local [hbm:s7], s20  }
0xa0: {  	_ =	swait.ge [sflag:s22], s20  }
0xa1: {  	s6 =	ssub.s32 $0x0, s20;
	[sflag:s22] =	ssyncset.done $0x0  }
0xa2: {  	[sflag:s22] =	ssyncadd.s32 s6;
	_ =	sdelay $0x1  }
0xa3: {  	s23 =	simm.s32 $0x1B8B  }
0xa4: {  	_ =	swait.ge [sflag:s23], $0x1  }
0xa5: {  	[sflag:s23] =	ssyncset.done $0x0  }
0xa6: {  	s25 =	simm.s32 $0x1B8E;
	s24 =	sld [smem:$0x3FFE];
	[sflag:s23] =	ssyncadd.s32 $0xFFFFFFFF  }
0xa7: {  	s26 =	simm.s32 $execute0_lowered;
	[smem:$0x3FD2] =	sst s25  }
0xa8: {  	s7 =	sshll.u32 s26, $0x1;
	_ =	strace $0x80000046;
	[dreg:$0x1] =	wrdreg $0xFFFFFFFF  }
0xa9: {  	s28 =	simm.s32 $_size_execute0_lowered;
	s5 =	sadd.s32 s5, s7;
	[dreg:$0x0] =	wrdreg $0x0  }
0xaa: {  	s7 =	sshll.u32 s28, $0x1;
	[dreg:$0x2] =	wrdreg s5  }
0xab: {  	[dreg:$0x3] =	wrdreg s7  }
0xac: {  	[dreg:$0x4] =	wrdreg $0xC0  }
0xad: {  	_ =	task [dreg:s9], $0x5FFFF  }
0xae: {  	[dreg:$0x1] =	wrdreg $0xFFFFFFFF  }
0xaf: {  	[dreg:$0x0] =	wrdreg $0x60  }
0xb0: {  	[dreg:$0x2] =	wrdreg s2  }
0xb1: {  	[dreg:$0x3] =	wrdreg s18  }
0xb2: {  	[dreg:$0x4] =	wrdreg s24  }
0xb3: {  	[dreg:$0x5] =	wrdreg s4  }
0xb4: {  	[dreg:$0x6] =	wrdreg $0xBC000  }
0xb5: {  	[dreg:$0x7] =	wrdreg $0x9  }
0xb6: {  	_ =	task.clear_ibuf [dreg:s9], $0x8FFFF;
	_ =	strace $0x90000046  }
0xb7: {  	s29 =	simm.s32 $0x9;
	_ =	strace $0x80000048  }
0xb8: {  	_ =	swait.ge [sflag:s29], $0x1  }
0xb9: {  	[sflag:s29] =	ssyncadd.s32 $0xFFFFFFFF  }
0xba: {  	_ =	strace $0x90000048  }
0xbb: {  	_ =	sfence  }
0xbc: {  	s30 =	sld [smem:$0x0];
	_ =	sdelay $0x2  }
0xbd: {  	s31 =	sshll.u32 s1, $0xD;
	s1 =	sshrl.u32 s1, $0x2  }
0xbe: {  	s3 =	sand.u32 $0x4000, s31;
	s1 =	sadd.s32 s1, s30  }
0xbf: {  	s0 =	sor.u32 s3, s0;
	s1 =	sshll.u32 s1, $0x11  }
0xc0: {  	s0 =	sor.u32 s1, s0  }
0xc1: {  	s0 =	sadd.s32 $0x8F2B, s0  }
0xc2: {  	[sflag:s0] =	ssyncadd.remote.s32 $0x1  }
0xc3: {  	_ =	sfence.sel $0xFFFF  }
0xc4: {  	[dreg:$0x0] =	wrdreg $0xFFFFFFFF;
	(pc) =	sbr.abs _section_cstart, $3  }
0xc5: {  	[dreg:$0x1] =	wrdreg $0xFFFFFFFF  }
0xc6: {  	_ =	task.clear_ibuf [dreg:s9], $0x2FFFF;
	_ =	strace $0x9FFFFFFF  }
0xc7: {  	(tm) =	ssettm $0x7FFFFFFF  }
tec
execute0_lowered:
.L_overlay_start_1:
0x0: {  	(tag) =	ssettag $0x1  }
0x1: {  	s1 =	rddreg [dreg:$0x0]  }
0x2: {  	s3 =	rddreg [dreg:$0x1]  }
0x3: {  	s0 =	rddreg [dreg:$0x2]  }
0x4: {  	s2 =	rddreg [dreg:$0x3]  }
0x5: {  	s4 =	rddreg [dreg:$0x4];
	s10 =	stileid.u32  }
0x6: {  	s5 =	simm.s32 $0x0;
	s7 =	srdreg.scid;
	s28 =	simm.s32 $0x60  }
0x7: {  	s30 =	simm.s32 $0x6480;
	s31 =	simm.s32 $0x1;
	s12 =	simm.s32 $0x4  }
0x8: {  	s16 =	simm.s32 $0x5;
	s6 =	smul.u32 $0x9D8, s10;
	[smem:$0x7FF] =	sst s5  }
0x9: {  	s8 =	sadd.s32 $0x29200, s0;
	s18 =	sadd.s32 $0x33800, s0;
	s7 =	sand.u32 $0x1, s7  }
0xa: {  	s19 =	sadd.s32 $0x5B000, s0;
	_ =	strace $0x80000047;
	[dreg:$0x6] =	wrdreg s8  }
0xb: {  	s9 =	smul.u32 $0x13C00, s10;
	s11 =	sadd.s32 $0x2E800, s0;
	[dreg:$0x7] =	wrdreg s18  }
0xc: {  	s23 =	sshll.u32 s10, $0x6;
	s24 =	smul.u32 $0x4F0, s10;
	[dreg:$0x8] =	wrdreg s19  }
0xd: {  	s10 =	simm.s32 $0x0;
	s20 =	ssub.s32 $0x2, s7;
	[dreg:$0x9] =	wrdreg s11  }
0xe: {  	s15 =	sor.u32 $0x1C09, s23;
	p0 =	sne.s32 s7, $0x0;
	s7 =	simm.s32 $0x9  }
0xf: {  	s23 =	simm.s32 $0x240;
	s8 =	simm.s32 $0x3480;
	s11 =	simm.s32 $0x6  }
0x10: {  	s6 =	sadd.s32 s6, s0;
	s0 =	sadd.s32 $0x29800, s0;
	[dreg:$0x10] =	wrdreg s24  }
0x11: {  	s21 =	sshrl.u32 s20, $0x1;
	s22 =	sshrl.u32 s9, $0x3;
	[dreg:$0xd] =	wrdreg s15  }
0x12: {  	s9 =	sadd.s32 s9, s4;
	s24 =	simm.s32 $0x7;
	[dreg:$0xa] =	wrdreg s0  }
0x13: {  	s0 =	ssub.s32 s20, s21;
	[dreg:$0xb] =	wrdreg s22;
	s2 =	sadd.s32 s2, s22  }
0x14: {  	s18 =	sadd.s32 $0x1F400, s6;
	s25 =	sadd.s32 $0x15600, s6;
	[dreg:$0xc] =	wrdreg s2  }
0x15: {  	s17 =	sadd.s32 $0xB800, s6;
	s26 =	sadd.s32 $0x1A00, s6;
	[dreg:$0x11] =	wrdreg s25  }
.Ltmp0:
0x16: {  	s29 =	sshrl.u32 s9, $0x3;
	[dreg:$0x12] =	wrdreg s26;
	(pc) =	sbr.rel .LBB2_1-.Ltmp0, $4  }
0x17: {  	s22 =	simm.s32 $0x9480;
	s9 =	simm.s32 $0x3;
	[dreg:$0xe] =	wrdreg s18  }
0x18: {  	s6 =	simm.s32 $0x8;
	s0 =	smax.u32 s0, $0x1;
	[dreg:$0xf] =	wrdreg s17  }
0x19: {  	s25 =	simm.s32 $0x120;
	s26 =	simm.s32 $0x360;
	[dreg:$0x14] =	wrdreg s29  }
0x1a: {  	v0 =	vimm.f32 $1.000000000e+00;
	s2 =	simm.s32 $0x2;
	[dreg:$0x13] =	wrdreg s0;
	s0 =	simm.s32 $0x480  }
.LBB2_7:
0x1b: {  	s15 =	rddreg [dreg:$0x8]  }
0x1c: {  	s14 =	rddreg [dreg:$0xa]  }
0x1d: {  	s10 =	rddreg [dreg:$0x15]  }
.LBB2_8:
0x1e: {  	_ =	swait.ge [sflag:s24], $0x120  }
0x1f: {  	[sflag:s24] =	ssyncset.done $0x0  }
0x20: {  	[sflag:s24] =	ssyncadd.s32 $0xFFFFFEE0  }
0x21: {  	_ =	swait.ge [sflag:s24], $0x120  }
0x22: {  	[sflag:s24] =	ssyncset.done $0x0  }
0x23: {  	[sflag:s24] =	ssyncadd.s32 $0xFFFFFEE0  }
0x24: {  	_ =	swait.ge [sflag:s12], $0x3000  }
0x25: {  	[sflag:s12] =	ssyncset.done $0x0  }
0x26: {  	[sflag:s12] =	ssyncadd.s32 $0xFFFFD000  }
0x27: {  	_ =	swait.ge [sflag:s16], $0x3000  }
0x28: {  	[sflag:s16] =	ssyncset.done $0x0  }
0x29: {  	[sflag:s16] =	ssyncadd.s32 $0xFFFFD000  }
0x2a: {  	_ =	swait.ge [sflag:s11], $0x3000  }
0x2b: {  	[sflag:s11] =	ssyncset.done $0x0  }
0x2c: {  	[sflag:s11] =	ssyncadd.s32 $0xFFFFD000  }
0x2d: {  	s17 =	rddreg [dreg:$0xb];
	[bflag:$0x0] =	sbarrier.arrive $0xFFFF  }
0x2e: {  	s19 =	rddreg [dreg:$0xd]  }
0x2f: {  	s20 =	simm.s32 $0x9;
	s15 =	sadd.s32 s15, s17;
	s29 =	rddreg [dreg:$0x14]  }
0x30: {  	[hbm:s15], [sflag:s19] =	dma.local [spmem:s29], $0x2780  }
0x31: {  	_ =	swait.ge [sflag:s20], $0x2780  }
0x32: {  	[sflag:s20] =	ssyncset.done $0x0;
	s7 =	rddreg [dreg:$0x10]  }
0x33: {  	s14 =	sadd.s32 s14, s7;
	[sflag:s20] =	ssyncadd.s32 $0xFFFFD880  }
0x34: {  	[hbm4b:s14+s5] =	stream.linear.scatter [tilespmem:s22], [sflag:$0x9], $0x2780, $0x38;
	[tilespmem:$0x1F800] =	vst v63  }
0x35: {  	_ =	swait.ge [sflag:s20], $0x2780  }
0x36: {  	s10 =	sadd.s32 $0x1, s10;
	s21 =	rddreg [dreg:$0x13]  }
0x37: {  	p1 =	sne.s32 s10, s21  }
.Ltmp1:
0x38: {  	_ = 	snop;
	(pc) =	sbr.rel @!p1 .LBB2_9-.Ltmp1, $3  }
0x39: {  	_ =	sdelay $0x1  }
0x3a: {  	s7 =	simm.s32 $0x9;
	[sflag:s20] =	ssyncset.done $0x0;
	s18 =	rddreg [dreg:$0xe]  }
0x3b: {  	s15 =	smov.u32 s19;
	s17 =	rddreg [dreg:$0xf];
	[sflag:s7] =	ssyncadd.s32 $0xFFFFD880  }
.LBB2_1:
0x3c: {  	[dreg:$0x15] =	wrdreg s10  }
0x3d: {  	s14 =	rddreg [dreg:$0xc]  }
0x3e: {  	[spmem:s29], [sflag:s15] =	dma.local [hbm:s14], $0x2780  }
0x3f: {  	_ =	swait.ge [sflag:s7], $0x2780  }
0x40: {  	[sflag:s7] =	ssyncset.done $0x0  }
0x41: {  	s29 =	rddreg [dreg:$0x6];
	[sflag:s7] =	ssyncadd.s32 $0xFFFFD880  }
0x42: {  	[tilespmem:s22], [sflag:$0x9] =	stream.linear.gather [hbm4b:s29+s5], $0x2780, $0x38;
	[tilespmem:$0x1F800] =	vst v63  }
.Ltmp2:
0x43: {  	_ =	swait.ge [sflag:s7], $0x2780;
	(pc) =	sbr.rel @p0 .LBB2_5-.Ltmp2, $4  }
0x44: {  	[sflag:s7] =	ssyncset.done $0x0  }
0x45: {  	[sflag:s7] =	ssyncadd.s32 $0xFFFFD880  }
0x46: {  	[bflag:$0x0] =	sbarrier.arrive $0xFFFF  }
0x47: {  	s14 =	simm.s32 $0x0  }
0x48: {  	s7 =	rddreg [dreg:$0x11]  }
0x49: {  	s18 =	rddreg [dreg:$0x12];
	s13 =	simm.s32 $0x300;
	s20 =	simm.s32 $0x180  }
0x4a: {  	[tilespmem:s14], [sflag:$0x7] =	stream.linear.gather [hbm4b:s7+s14], $0x120, $0x38;
	[tilespmem:$0x1F800] =	vst v63  }
0x4b: {  	s21 =	simm.s32 $0x1E0;
	s10 =	simm.s32 $0x3C0;
	s19 =	simm.s32 $0x420  }
0x4c: {  	[tilespmem:s23], [sflag:$0x7] =	stream.linear.gather [hbm4b:s18+s14], $0x120, $0x38;
	[tilespmem:$0x1F800] =	vst v63  }
.LBB2_3:
0x4d: {  	_ =	swait.ge [sflag:s24], $0x120  }
0x4e: {  	[sflag:s24] =	ssyncset.done $0x0  }
0x4f: {  	[sflag:s24] =	ssyncadd.s32 $0xFFFFFEE0  }
0x50: {  	_ =	swait.ge [sflag:s24], $0x120  }
0x51: {  	p1 =	sne.s32 s14, $0x0;
	[sflag:s24] =	ssyncset.done $0x0  }
0x52: {  	s15 =	simm.s32 @p1 $0x4;
	[sflag:s24] =	ssyncadd.s32 $0xFFFFFEE0  }
0x53: {  	_ =	swait.ge @p1 [sflag:s15], $0x3000  }
0x54: {  	s29 =	simm.s32 @p1 $0x0;
	[sflag:s15] =	ssyncset.done @p1 $0x0  }
0x55: {  	s17 =	simm.s32 @p1 $0x480;
	[sflag:s15] =	ssyncadd.s32 @p1 $0xFFFFD000;
	s15 =	simm.s32 @p1 $0x60  }
0x56: {  	[tilespmem:s17], [sflag:$0x1] =	stream.indirect.gather @p1 [hbm4b:s1+s15], $0x80, s29, s15, $0xb8;
	[tilespmem:$0x1F800] =	vst v63  }
0x57: {  	s17 =	simm.s32 @p1 $0x5  }
0x58: {  	_ =	swait.ge @p1 [sflag:s17], $0x3000  }
0x59: {  	[sflag:s17] =	ssyncset.done @p1 $0x0  }
0x5a: {  	[sflag:s17] =	ssyncadd.s32 @p1 $0xFFFFD000;
	s17 =	simm.s32 @p1 $0x3480  }
0x5b: {  	[tilespmem:s17], [sflag:$0x2] =	stream.indirect.gather @p1 [hbm4b:s1+s15], $0x80, s15, s15, $0xb8;
	[tilespmem:$0x1F800] =	vst v63  }
0x5c: {  	s15 =	simm.s32 @p1 $0x6  }
0x5d: {  	_ =	swait.ge @p1 [sflag:s15], $0x3000  }
0x5e: {  	s29 =	simm.s32 @!p1 $0x480;
	[sflag:s15] =	ssyncset.done @p1 $0x0  }
0x5f: {  	s17 =	simm.s32 @!p1 $0x0;
	[sflag:s15] =	ssyncadd.s32 @p1 $0xFFFFD000;
	s15 =	simm.s32 @!p1 $0x60  }
0x60: {  	[tilespmem:s29], [sflag:$0x1] =	stream.indirect.gather @!p1 [hbm4b:s1+s15], $0x80, s17, s15, $0xb8;
	[tilespmem:$0x1F800] =	vst v63  }
0x61: {  	s17 =	simm.s32 @!p1 $0x3480  }
0x62: {  	[tilespmem:s17], [sflag:$0x2] =	stream.indirect.gather @!p1 [hbm4b:s1+s15], $0x80, s15, s15, $0xb8;
	[tilespmem:$0x1F800] =	vst v63  }
0x63: {  	s15 =	sadd.s32 s14, s7  }
0x64: {  	s29 =	sadd.s32 $0x24, s15  }
0x65: {  	[tilespmem:s25], [sflag:$0x8] =	stream.linear.gather [hbm4b:s29+s5], $0x120, $0x38;
	[tilespmem:$0x1F800] =	vst v63  }
0x66: {  	s29 =	sadd.s32 s14, s18  }
0x67: {  	s17 =	sadd.s32 $0x24, s29  }
0x68: {  	[tilespmem:s26], [sflag:$0x8] =	stream.linear.gather [hbm4b:s17+s5], $0x120, $0x38;
	[tilespmem:$0x1F800] =	vst v63  }
0x69: {  	s17 =	simm.s32 $0xC0  }
0x6a: {  	[tilespmem:s30], [sflag:$0x3] =	stream.indirect.gather [hbm4b:s1+s28], $0x80, s17, s28, $0xb8;
	[tilespmem:$0x1F800] =	vst v63  }
0x6b: {  	v1 =	vld [tilespmem:$0x240];
	_ =	sdelay $0x7  }
0x6c: {  	[tilespmem:v1+s22+$0x0] =	vst.idx.add.f32.msk $0xffff, v0  }
0x6d: {  	v1 =	vld [tilespmem:$0x250];
	_ =	sdelay $0x7  }
0x6e: {  	[tilespmem:v1+s22+$0x0] =	vst.idx.add.f32.msk $0xffff, v0  }
0x6f: {  	v1 =	vld [tilespmem:$0x260];
	_ =	sdelay $0x7  }
0x70: {  	[tilespmem:v1+s22+$0x0] =	vst.idx.add.f32.msk $0xffff, v0  }
0x71: {  	v1 =	vld [tilespmem:$0x270];
	_ =	sdelay $0x7  }
0x72: {  	[tilespmem:v1+s22+$0x0] =	vst.idx.add.f32.msk $0xffff, v0  }
0x73: {  	v1 =	vld [tilespmem:$0x280];
	_ =	sdelay $0x7  }
0x74: {  	[tilespmem:v1+s22+$0x0] =	vst.idx.add.f32.msk $0xffff, v0  }
0x75: {  	v1 =	vld [tilespmem:$0x290];
	_ =	sdelay $0x7  }
0x76: {  	[tilespmem:v1+s22+$0x0] =	vst.idx.add.f32.msk $0xffff, v0  }
0x77: {  	v1 =	vld [tilespmem:$0x2A0];
	_ =	sdelay $0x7  }
0x78: {  	[tilespmem:v1+s22+$0x0] =	vst.idx.add.f32.msk $0xffff, v0  }
0x79: {  	v1 =	vld [tilespmem:$0x2B0];
	_ =	sdelay $0x7  }
0x7a: {  	[tilespmem:v1+s22+$0x0] =	vst.idx.add.f32.msk $0xffff, v0  }
0x7b: {  	v1 =	vld [tilespmem:$0x2C0];
	_ =	sdelay $0x7  }
0x7c: {  	[tilespmem:v1+s22+$0x0] =	vst.idx.add.f32.msk $0xffff, v0  }
0x7d: {  	v1 =	vld [tilespmem:$0x2D0];
	_ =	sdelay $0x7  }
0x7e: {  	[tilespmem:v1+s22+$0x0] =	vst.idx.add.f32.msk $0xffff, v0  }
0x7f: {  	v1 =	vld [tilespmem:$0x2E0];
	_ =	sdelay $0x7  }
0x80: {  	[tilespmem:v1+s22+$0x0] =	vst.idx.add.f32.msk $0xffff, v0  }
0x81: {  	v1 =	vld [tilespmem:$0x2F0];
	_ =	sdelay $0x7  }
0x82: {  	[tilespmem:v1+s22+$0x0] =	vst.idx.add.f32.msk $0xffff, v0  }
0x83: {  	v1 =	vld [tilespmem:$0x300];
	_ =	sdelay $0x7  }
0x84: {  	[tilespmem:v1+s22+$0x0] =	vst.idx.add.f32.msk $0xffff, v0  }
0x85: {  	v1 =	vld [tilespmem:$0x310];
	_ =	sdelay $0x7  }
0x86: {  	[tilespmem:v1+s22+$0x0] =	vst.idx.add.f32.msk $0xffff, v0  }
0x87: {  	v1 =	vld [tilespmem:$0x320];
	_ =	sdelay $0x7  }
0x88: {  	[tilespmem:v1+s22+$0x0] =	vst.idx.add.f32.msk $0xffff, v0  }
0x89: {  	v1 =	vld [tilespmem:$0x330];
	_ =	sdelay $0x7  }
0x8a: {  	[tilespmem:v1+s22+$0x0] =	vst.idx.add.f32.msk $0xffff, v0  }
0x8b: {  	v1 =	vld [tilespmem:$0x340];
	_ =	sdelay $0x7  }
0x8c: {  	[tilespmem:v1+s22+$0x0] =	vst.idx.add.f32.msk $0xffff, v0  }
0x8d: {  	v1 =	vld [tilespmem:$0x350];
	_ =	sdelay $0x7  }
0x8e: {  	[tilespmem:v1+s22+$0x0] =	vst.idx.add.f32.msk $0xffff, v0  }
0x8f: {  	_ =	swait.ge [sflag:s31], $0x3000  }
0x90: {  	[sflag:s31] =	ssyncset.done $0x0  }
0x91: {  	[sflag:s31] =	ssyncadd.s32 $0xFFFFD000  }
0x92: {  	[spmem:s4] =	stream.indirect.scatter.add.f32 [tilespmem:s0], [sflag:$0x4], $0x80, s23, s28, $0xb8;
	[tilespmem:$0x1F800] =	vst v63  }
0x93: {  	_ =	swait.ge [sflag:s2], $0x3000  }
0x94: {  	[sflag:s2] =	ssyncset.done $0x0  }
0x95: {  	s17 =	simm.s32 $0x2A0;
	[sflag:s2] =	ssyncadd.s32 $0xFFFFD000  }
0x96: {  	[spmem:s4] =	stream.indirect.scatter.add.f32 [tilespmem:s8], [sflag:$0x5], $0x80, s17, s28, $0xb8;
	[tilespmem:$0x1F800] =	vst v63  }
0x97: {  	_ =	swait.ge [sflag:s9], $0x3000  }
0x98: {  	[sflag:s9] =	ssyncset.done $0x0  }
0x99: {  	[sflag:s9] =	ssyncadd.s32 $0xFFFFD000  }
0x9a: {  	[spmem:s4] =	stream.indirect.scatter.add.f32 [tilespmem:s30], [sflag:$0x6], $0x80, s13, s28, $0xb8;
	[tilespmem:$0x1F800] =	vst v63  }
0x9b: {  	_ =	swait.ge [sflag:s6], $0x120  }
0x9c: {  	[sflag:s6] =	ssyncset.done $0x0  }
0x9d: {  	[sflag:s6] =	ssyncadd.s32 $0xFFFFFEE0  }
0x9e: {  	_ =	swait.ge [sflag:s6], $0x120  }
0x9f: {  	[sflag:s6] =	ssyncset.done $0x0  }
0xa0: {  	[sflag:s6] =	ssyncadd.s32 $0xFFFFFEE0  }
0xa1: {  	_ =	swait.ge [sflag:s12], $0x3000  }
0xa2: {  	[sflag:s12] =	ssyncset.done $0x0  }
0xa3: {  	[sflag:s12] =	ssyncadd.s32 $0xFFFFD000  }
0xa4: {  	[tilespmem:s0], [sflag:$0x1] =	stream.indirect.gather [hbm4b:s1+s28], $0x80, s25, s28, $0xb8;
	[tilespmem:$0x1F800] =	vst v63  }
0xa5: {  	_ =	swait.ge [sflag:s16], $0x3000  }
0xa6: {  	[sflag:s16] =	ssyncset.done $0x0  }
0xa7: {  	[sflag:s16] =	ssyncadd.s32 $0xFFFFD000  }
0xa8: {  	[tilespmem:s8], [sflag:$0x2] =	stream.indirect.gather [hbm4b:s1+s28], $0x80, s20, s28, $0xb8;
	[tilespmem:$0x1F800] =	vst v63  }
0xa9: {  	_ =	swait.ge [sflag:s11], $0x3000  }
0xaa: {  	[sflag:s11] =	ssyncset.done $0x0  }
0xab: {  	s15 =	sadd.s32 $0x48, s15;
	[sflag:s11] =	ssyncadd.s32 $0xFFFFD000  }
0xac: {  	[tilespmem:s5], [sflag:$0x7] =	stream.linear.gather [hbm4b:s15+s5], $0x120, $0x38;
	[tilespmem:$0x1F800] =	vst v63  }
0xad: {  	s29 =	sadd.s32 $0x48, s29  }
0xae: {  	[tilespmem:s23], [sflag:$0x7] =	stream.linear.gather [hbm4b:s29+s5], $0x120, $0x38;
	[tilespmem:$0x1F800] =	vst v63  }
0xaf: {  	_ = 	snop  }
0xb0: {  	[tilespmem:s30], [sflag:$0x3] =	stream.indirect.gather [hbm4b:s1+s28], $0x80, s21, s28, $0xb8;
	[tilespmem:$0x1F800] =	vst v63  }
0xb1: {  	v1 =	vld [tilespmem:$0x360];
	_ =	sdelay $0x7  }
0xb2: {  	[tilespmem:v1+s22+$0x0] =	vst.idx.add.f32.msk $0xffff, v0  }
0xb3: {  	v1 =	vld [tilespmem:$0x370];
	_ =	sdelay $0x7  }
0xb4: {  	[tilespmem:v1+s22+$0x0] =	vst.idx.add.f32.msk $0xffff, v0  }
0xb5: {  	v1 =	vld [tilespmem:$0x380];
	_ =	sdelay $0x7  }
0xb6: {  	[tilespmem:v1+s22+$0x0] =	vst.idx.add.f32.msk $0xffff, v0  }
0xb7: {  	v1 =	vld [tilespmem:$0x390];
	_ =	sdelay $0x7  }
0xb8: {  	[tilespmem:v1+s22+$0x0] =	vst.idx.add.f32.msk $0xffff, v0  }
0xb9: {  	v1 =	vld [tilespmem:$0x3A0];
	_ =	sdelay $0x7  }
0xba: {  	[tilespmem:v1+s22+$0x0] =	vst.idx.add.f32.msk $0xffff, v0  }
0xbb: {  	v1 =	vld [tilespmem:$0x3B0];
	_ =	sdelay $0x7  }
0xbc: {  	[tilespmem:v1+s22+$0x0] =	vst.idx.add.f32.msk $0xffff, v0  }
0xbd: {  	v1 =	vld [tilespmem:$0x3C0];
	_ =	sdelay $0x7  }
0xbe: {  	[tilespmem:v1+s22+$0x0] =	vst.idx.add.f32.msk $0xffff, v0  }
0xbf: {  	v1 =	vld [tilespmem:$0x3D0];
	_ =	sdelay $0x7  }
0xc0: {  	[tilespmem:v1+s22+$0x0] =	vst.idx.add.f32.msk $0xffff, v0  }
0xc1: {  	v1 =	vld [tilespmem:$0x3E0];
	_ =	sdelay $0x7  }
0xc2: {  	[tilespmem:v1+s22+$0x0] =	vst.idx.add.f32.msk $0xffff, v0  }
0xc3: {  	v1 =	vld [tilespmem:$0x3F0];
	_ =	sdelay $0x7  }
0xc4: {  	[tilespmem:v1+s22+$0x0] =	vst.idx.add.f32.msk $0xffff, v0  }
0xc5: {  	v1 =	vld [tilespmem:$0x400];
	_ =	sdelay $0x7  }
0xc6: {  	[tilespmem:v1+s22+$0x0] =	vst.idx.add.f32.msk $0xffff, v0  }
0xc7: {  	v1 =	vld [tilespmem:$0x410];
	_ =	sdelay $0x7  }
0xc8: {  	[tilespmem:v1+s22+$0x0] =	vst.idx.add.f32.msk $0xffff, v0  }
0xc9: {  	v1 =	vld [tilespmem:$0x420];
	_ =	sdelay $0x7  }
0xca: {  	[tilespmem:v1+s22+$0x0] =	vst.idx.add.f32.msk $0xffff, v0  }
0xcb: {  	v1 =	vld [tilespmem:$0x430];
	_ =	sdelay $0x7  }
0xcc: {  	[tilespmem:v1+s22+$0x0] =	vst.idx.add.f32.msk $0xffff, v0  }
0xcd: {  	v1 =	vld [tilespmem:$0x440];
	_ =	sdelay $0x7  }
0xce: {  	[tilespmem:v1+s22+$0x0] =	vst.idx.add.f32.msk $0xffff, v0  }
0xcf: {  	v1 =	vld [tilespmem:$0x450];
	_ =	sdelay $0x7  }
0xd0: {  	[tilespmem:v1+s22+$0x0] =	vst.idx.add.f32.msk $0xffff, v0  }
0xd1: {  	v1 =	vld [tilespmem:$0x460];
	_ =	sdelay $0x7  }
0xd2: {  	[tilespmem:v1+s22+$0x0] =	vst.idx.add.f32.msk $0xffff, v0  }
0xd3: {  	v1 =	vld [tilespmem:$0x470];
	_ =	sdelay $0x7  }
0xd4: {  	[tilespmem:v1+s22+$0x0] =	vst.idx.add.f32.msk $0xffff, v0  }
0xd5: {  	_ =	swait.ge [sflag:s31], $0x3000  }
0xd6: {  	[sflag:s31] =	ssyncset.done $0x0  }
0xd7: {  	[sflag:s31] =	ssyncadd.s32 $0xFFFFD000  }
0xd8: {  	[spmem:s4] =	stream.indirect.scatter.add.f32 [tilespmem:s0], [sflag:$0x4], $0x80, s26, s28, $0xb8;
	[tilespmem:$0x1F800] =	vst v63  }
0xd9: {  	_ =	swait.ge [sflag:s2], $0x3000  }
0xda: {  	s14 =	sadd.s32 $0x48, s14;
	[sflag:s2] =	ssyncset.done $0x0  }
0xdb: {  	p1 =	seq.s32 s14, $0x9D8;
	[sflag:s2] =	ssyncadd.s32 $0xFFFFD000  }
0xdc: {  	[spmem:s4] =	stream.indirect.scatter.add.f32 [tilespmem:s8], [sflag:$0x5], $0x80, s10, s28, $0xb8;
	[tilespmem:$0x1F800] =	vst v63  }
.Ltmp3:
0xdd: {  	_ = 	snop;
	(pc) =	sbr.rel @!p1 .LBB2_3-.Ltmp3, $4  }
0xde: {  	_ =	swait.ge [sflag:s9], $0x3000  }
0xdf: {  	[sflag:s9] =	ssyncset.done $0x0  }
0xe0: {  	[sflag:s9] =	ssyncadd.s32 $0xFFFFD000  }
0xe1: {  	[spmem:s4] =	stream.indirect.scatter.add.f32 [tilespmem:s30], [sflag:$0x6], $0x80, s19, s28, $0xb8;
	[tilespmem:$0x1F800] =	vst v63  }
.Ltmp4:
0xe2: {  	(pc) =	sbr.rel .LBB2_8-.Ltmp4, $4  }
0xe3: {  	_ = 	snop  }
0xe4: {  	s15 =	rddreg [dreg:$0x7]  }
0xe5: {  	s14 =	rddreg [dreg:$0x9]  }
0xe6: {  	s10 =	rddreg [dreg:$0x15]  }
.LBB2_5:
0xe7: {  	[tilespmem:s14], [sflag:$0x7] =	stream.linear.gather [hbm4b:s18+s14], $0x120, $0x38;
	[tilespmem:$0x1F800] =	vst v63  }
0xe8: {  	s7 =	smov.u32 s17;
	s13 =	simm.s32 $0x300;
	s20 =	simm.s32 $0x180  }
0xe9: {  	s21 =	simm.s32 $0x1E0;
	s10 =	simm.s32 $0x3C0;
	s19 =	simm.s32 $0x420  }
0xea: {  	[tilespmem:s23], [sflag:$0x7] =	stream.linear.gather [hbm4b:s17+s14], $0x120, $0x38;
	[tilespmem:$0x1F800] =	vst v63  }
.LBB2_6:
0xeb: {  	_ =	swait.ge [sflag:s24], $0x120  }
0xec: {  	[sflag:s24] =	ssyncset.done $0x0  }
0xed: {  	[sflag:s24] =	ssyncadd.s32 $0xFFFFFEE0  }
0xee: {  	_ =	swait.ge [sflag:s24], $0x120  }
0xef: {  	p1 =	sne.s32 s14, $0x0;
	[sflag:s24] =	ssyncset.done $0x0  }
0xf0: {  	s15 =	simm.s32 @p1 $0x4;
	[sflag:s24] =	ssyncadd.s32 $0xFFFFFEE0  }
0xf1: {  	_ =	swait.ge @p1 [sflag:s15], $0x3000  }
0xf2: {  	s17 =	simm.s32 @p1 $0x0;
	[sflag:s15] =	ssyncset.done @p1 $0x0  }
0xf3: {  	s29 =	simm.s32 @p1 $0x480;
	[sflag:s15] =	ssyncadd.s32 @p1 $0xFFFFD000;
	s15 =	simm.s32 @p1 $0x60  }
0xf4: {  	[tilespmem:s29], [sflag:$0x1] =	stream.indirect.gather @p1 [hbm4b:s3+s15], $0x80, s17, s15, $0xb8;
	[tilespmem:$0x1F800] =	vst v63  }
0xf5: {  	s17 =	simm.s32 @p1 $0x5  }
0xf6: {  	_ =	swait.ge @p1 [sflag:s17], $0x3000  }
0xf7: {  	[sflag:s17] =	ssyncset.done @p1 $0x0  }
0xf8: {  	[sflag:s17] =	ssyncadd.s32 @p1 $0xFFFFD000;
	s17 =	simm.s32 @p1 $0x3480  }
0xf9: {  	[tilespmem:s17], [sflag:$0x2] =	stream.indirect.gather @p1 [hbm4b:s3+s15], $0x80, s15, s15, $0xb8;
	[tilespmem:$0x1F800] =	vst v63  }
0xfa: {  	s15 =	simm.s32 @p1 $0x6  }
0xfb: {  	_ =	swait.ge @p1 [sflag:s15], $0x3000  }
0xfc: {  	s29 =	simm.s32 @!p1 $0x480;
	[sflag:s15] =	ssyncset.done @p1 $0x0  }
0xfd: {  	s17 =	simm.s32 @!p1 $0x0;
	[sflag:s15] =	ssyncadd.s32 @p1 $0xFFFFD000;
	s15 =	simm.s32 @!p1 $0x60  }
0xfe: {  	[tilespmem:s29], [sflag:$0x1] =	stream.indirect.gather @!p1 [hbm4b:s3+s15], $0x80, s17, s15, $0xb8;
	[tilespmem:$0x1F800] =	vst v63  }
0xff: {  	s17 =	simm.s32 @!p1 $0x3480  }
0x100: {  	[tilespmem:s17], [sflag:$0x2] =	stream.indirect.gather @!p1 [hbm4b:s3+s15], $0x80, s15, s15, $0xb8;
	[tilespmem:$0x1F800] =	vst v63  }
0x101: {  	s15 =	sadd.s32 s14, s18  }
0x102: {  	s29 =	sadd.s32 $0x24, s15  }
0x103: {  	[tilespmem:s25], [sflag:$0x8] =	stream.linear.gather [hbm4b:s29+s5], $0x120, $0x38;
	[tilespmem:$0x1F800] =	vst v63  }
0x104: {  	s29 =	sadd.s32 s14, s7  }
0x105: {  	s17 =	sadd.s32 $0x24, s29  }
0x106: {  	[tilespmem:s26], [sflag:$0x8] =	stream.linear.gather [hbm4b:s17+s5], $0x120, $0x38;
	[tilespmem:$0x1F800] =	vst v63  }
0x107: {  	s17 =	simm.s32 $0xC0  }
0x108: {  	[tilespmem:s30], [sflag:$0x3] =	stream.indirect.gather [hbm4b:s3+s28], $0x80, s17, s28, $0xb8;
	[tilespmem:$0x1F800] =	vst v63  }
0x109: {  	v1 =	vld [tilespmem:$0x240];
	_ =	sdelay $0x7  }
0x10a: {  	[tilespmem:v1+s22+$0x0] =	vst.idx.add.f32.msk $0xffff, v0  }
0x10b: {  	v1 =	vld [tilespmem:$0x250];
	_ =	sdelay $0x7  }
0x10c: {  	[tilespmem:v1+s22+$0x0] =	vst.idx.add.f32.msk $0xffff, v0  }
0x10d: {  	v1 =	vld [tilespmem:$0x260];
	_ =	sdelay $0x7  }
0x10e: {  	[tilespmem:v1+s22+$0x0] =	vst.idx.add.f32.msk $0xffff, v0  }
0x10f: {  	v1 =	vld [tilespmem:$0x270];
	_ =	sdelay $0x7  }
0x110: {  	[tilespmem:v1+s22+$0x0] =	vst.idx.add.f32.msk $0xffff, v0  }
0x111: {  	v1 =	vld [tilespmem:$0x280];
	_ =	sdelay $0x7  }
0x112: {  	[tilespmem:v1+s22+$0x0] =	vst.idx.add.f32.msk $0xffff, v0  }
0x113: {  	v1 =	vld [tilespmem:$0x290];
	_ =	sdelay $0x7  }
0x114: {  	[tilespmem:v1+s22+$0x0] =	vst.idx.add.f32.msk $0xffff, v0  }
0x115: {  	v1 =	vld [tilespmem:$0x2A0];
	_ =	sdelay $0x7  }
0x116: {  	[tilespmem:v1+s22+$0x0] =	vst.idx.add.f32.msk $0xffff, v0  }
0x117: {  	v1 =	vld [tilespmem:$0x2B0];
	_ =	sdelay $0x7  }
0x118: {  	[tilespmem:v1+s22+$0x0] =	vst.idx.add.f32.msk $0xffff, v0  }
0x119: {  	v1 =	vld [tilespmem:$0x2C0];
	_ =	sdelay $0x7  }
0x11a: {  	[tilespmem:v1+s22+$0x0] =	vst.idx.add.f32.msk $0xffff, v0  }
0x11b: {  	v1 =	vld [tilespmem:$0x2D0];
	_ =	sdelay $0x7  }
0x11c: {  	[tilespmem:v1+s22+$0x0] =	vst.idx.add.f32.msk $0xffff, v0  }
0x11d: {  	v1 =	vld [tilespmem:$0x2E0];
	_ =	sdelay $0x7  }
0x11e: {  	[tilespmem:v1+s22+$0x0] =	vst.idx.add.f32.msk $0xffff, v0  }
0x11f: {  	v1 =	vld [tilespmem:$0x2F0];
	_ =	sdelay $0x7  }
0x120: {  	[tilespmem:v1+s22+$0x0] =	vst.idx.add.f32.msk $0xffff, v0  }
0x121: {  	v1 =	vld [tilespmem:$0x300];
	_ =	sdelay $0x7  }
0x122: {  	[tilespmem:v1+s22+$0x0] =	vst.idx.add.f32.msk $0xffff, v0  }
0x123: {  	v1 =	vld [tilespmem:$0x310];
	_ =	sdelay $0x7  }
0x124: {  	[tilespmem:v1+s22+$0x0] =	vst.idx.add.f32.msk $0xffff, v0  }
0x125: {  	v1 =	vld [tilespmem:$0x320];
	_ =	sdelay $0x7  }
0x126: {  	[tilespmem:v1+s22+$0x0] =	vst.idx.add.f32.msk $0xffff, v0  }
0x127: {  	v1 =	vld [tilespmem:$0x330];
	_ =	sdelay $0x7  }
0x128: {  	[tilespmem:v1+s22+$0x0] =	vst.idx.add.f32.msk $0xffff, v0  }
0x129: {  	v1 =	vld [tilespmem:$0x340];
	_ =	sdelay $0x7  }
0x12a: {  	[tilespmem:v1+s22+$0x0] =	vst.idx.add.f32.msk $0xffff, v0  }
0x12b: {  	v1 =	vld [tilespmem:$0x350];
	_ =	sdelay $0x7  }
0x12c: {  	[tilespmem:v1+s22+$0x0] =	vst.idx.add.f32.msk $0xffff, v0  }
0x12d: {  	_ =	swait.ge [sflag:s31], $0x3000  }
0x12e: {  	[sflag:s31] =	ssyncset.done $0x0  }
0x12f: {  	[sflag:s31] =	ssyncadd.s32 $0xFFFFD000  }
0x130: {  	[spmem:s4] =	stream.indirect.scatter.add.f32 [tilespmem:s0], [sflag:$0x4], $0x80, s23, s28, $0xb8;
	[tilespmem:$0x1F800] =	vst v63  }
0x131: {  	_ =	swait.ge [sflag:s2], $0x3000  }
0x132: {  	[sflag:s2] =	ssyncset.done $0x0  }
0x133: {  	s17 =	simm.s32 $0x2A0;
	[sflag:s2] =	ssyncadd.s32 $0xFFFFD000  }
0x134: {  	[spmem:s4] =	stream.indirect.scatter.add.f32 [tilespmem:s8], [sflag:$0x5], $0x80, s17, s28, $0xb8;
	[tilespmem:$0x1F800] =	vst v63  }
0x135: {  	_ =	swait.ge [sflag:s9], $0x3000  }
0x136: {  	[sflag:s9] =	ssyncset.done $0x0  }
0x137: {  	[sflag:s9] =	ssyncadd.s32 $0xFFFFD000  }
0x138: {  	[spmem:s4] =	stream.indirect.scatter.add.f32 [tilespmem:s30], [sflag:$0x6], $0x80, s13, s28, $0xb8;
	[tilespmem:$0x1F800] =	vst v63  }
0x139: {  	_ =	swait.ge [sflag:s6], $0x120  }
0x13a: {  	[sflag:s6] =	ssyncset.done $0x0  }
0x13b: {  	[sflag:s6] =	ssyncadd.s32 $0xFFFFFEE0  }
0x13c: {  	_ =	swait.ge [sflag:s6], $0x120  }
0x13d: {  	[sflag:s6] =	ssyncset.done $0x0  }
0x13e: {  	[sflag:s6] =	ssyncadd.s32 $0xFFFFFEE0  }
0x13f: {  	_ =	swait.ge [sflag:s12], $0x3000  }
0x140: {  	[sflag:s12] =	ssyncset.done $0x0  }
0x141: {  	[sflag:s12] =	ssyncadd.s32 $0xFFFFD000  }
0x142: {  	[tilespmem:s0], [sflag:$0x1] =	stream.indirect.gather [hbm4b:s3+s28], $0x80, s25, s28, $0xb8;
	[tilespmem:$0x1F800] =	vst v63  }
0x143: {  	_ =	swait.ge [sflag:s16], $0x3000  }
0x144: {  	[sflag:s16] =	ssyncset.done $0x0  }
0x145: {  	[sflag:s16] =	ssyncadd.s32 $0xFFFFD000  }
0x146: {  	[tilespmem:s8], [sflag:$0x2] =	stream.indirect.gather [hbm4b:s3+s28], $0x80, s20, s28, $0xb8;
	[tilespmem:$0x1F800] =	vst v63  }
0x147: {  	_ =	swait.ge [sflag:s11], $0x3000  }
0x148: {  	[sflag:s11] =	ssyncset.done $0x0  }
0x149: {  	s15 =	sadd.s32 $0x48, s15;
	[sflag:s11] =	ssyncadd.s32 $0xFFFFD000  }
0x14a: {  	[tilespmem:s5], [sflag:$0x7] =	stream.linear.gather [hbm4b:s15+s5], $0x120, $0x38;
	[tilespmem:$0x1F800] =	vst v63  }
0x14b: {  	s29 =	sadd.s32 $0x48, s29  }
0x14c: {  	[tilespmem:s23], [sflag:$0x7] =	stream.linear.gather [hbm4b:s29+s5], $0x120, $0x38;
	[tilespmem:$0x1F800] =	vst v63  }
0x14d: {  	_ = 	snop  }
0x14e: {  	[tilespmem:s30], [sflag:$0x3] =	stream.indirect.gather [hbm4b:s3+s28], $0x80, s21, s28, $0xb8;
	[tilespmem:$0x1F800] =	vst v63  }
0x14f: {  	v1 =	vld [tilespmem:$0x360];
	_ =	sdelay $0x7  }
0x150: {  	[tilespmem:v1+s22+$0x0] =	vst.idx.add.f32.msk $0xffff, v0  }
0x151: {  	v1 =	vld [tilespmem:$0x370];
	_ =	sdelay $0x7  }
0x152: {  	[tilespmem:v1+s22+$0x0] =	vst.idx.add.f32.msk $0xffff, v0  }
0x153: {  	v1 =	vld [tilespmem:$0x380];
	_ =	sdelay $0x7  }
0x154: {  	[tilespmem:v1+s22+$0x0] =	vst.idx.add.f32.msk $0xffff, v0  }
0x155: {  	v1 =	vld [tilespmem:$0x390];
	_ =	sdelay $0x7  }
0x156: {  	[tilespmem:v1+s22+$0x0] =	vst.idx.add.f32.msk $0xffff, v0  }
0x157: {  	v1 =	vld [tilespmem:$0x3A0];
	_ =	sdelay $0x7  }
0x158: {  	[tilespmem:v1+s22+$0x0] =	vst.idx.add.f32.msk $0xffff, v0  }
0x159: {  	v1 =	vld [tilespmem:$0x3B0];
	_ =	sdelay $0x7  }
0x15a: {  	[tilespmem:v1+s22+$0x0] =	vst.idx.add.f32.msk $0xffff, v0  }
0x15b: {  	v1 =	vld [tilespmem:$0x3C0];
	_ =	sdelay $0x7  }
0x15c: {  	[tilespmem:v1+s22+$0x0] =	vst.idx.add.f32.msk $0xffff, v0  }
0x15d: {  	v1 =	vld [tilespmem:$0x3D0];
	_ =	sdelay $0x7  }
0x15e: {  	[tilespmem:v1+s22+$0x0] =	vst.idx.add.f32.msk $0xffff, v0  }
0x15f: {  	v1 =	vld [tilespmem:$0x3E0];
	_ =	sdelay $0x7  }
0x160: {  	[tilespmem:v1+s22+$0x0] =	vst.idx.add.f32.msk $0xffff, v0  }
0x161: {  	v1 =	vld [tilespmem:$0x3F0];
	_ =	sdelay $0x7  }
0x162: {  	[tilespmem:v1+s22+$0x0] =	vst.idx.add.f32.msk $0xffff, v0  }
0x163: {  	v1 =	vld [tilespmem:$0x400];
	_ =	sdelay $0x7  }
0x164: {  	[tilespmem:v1+s22+$0x0] =	vst.idx.add.f32.msk $0xffff, v0  }
0x165: {  	v1 =	vld [tilespmem:$0x410];
	_ =	sdelay $0x7  }
0x166: {  	[tilespmem:v1+s22+$0x0] =	vst.idx.add.f32.msk $0xffff, v0  }
0x167: {  	v1 =	vld [tilespmem:$0x420];
	_ =	sdelay $0x7  }
0x168: {  	[tilespmem:v1+s22+$0x0] =	vst.idx.add.f32.msk $0xffff, v0  }
0x169: {  	v1 =	vld [tilespmem:$0x430];
	_ =	sdelay $0x7  }
0x16a: {  	[tilespmem:v1+s22+$0x0] =	vst.idx.add.f32.msk $0xffff, v0  }
0x16b: {  	v1 =	vld [tilespmem:$0x440];
	_ =	sdelay $0x7  }
0x16c: {  	[tilespmem:v1+s22+$0x0] =	vst.idx.add.f32.msk $0xffff, v0  }
0x16d: {  	v1 =	vld [tilespmem:$0x450];
	_ =	sdelay $0x7  }
0x16e: {  	[tilespmem:v1+s22+$0x0] =	vst.idx.add.f32.msk $0xffff, v0  }
0x16f: {  	v1 =	vld [tilespmem:$0x460];
	_ =	sdelay $0x7  }
0x170: {  	[tilespmem:v1+s22+$0x0] =	vst.idx.add.f32.msk $0xffff, v0  }
0x171: {  	v1 =	vld [tilespmem:$0x470];
	_ =	sdelay $0x7  }
0x172: {  	[tilespmem:v1+s22+$0x0] =	vst.idx.add.f32.msk $0xffff, v0  }
0x173: {  	_ =	swait.ge [sflag:s31], $0x3000  }
0x174: {  	[sflag:s31] =	ssyncset.done $0x0  }
0x175: {  	[sflag:s31] =	ssyncadd.s32 $0xFFFFD000  }
0x176: {  	[spmem:s4] =	stream.indirect.scatter.add.f32 [tilespmem:s0], [sflag:$0x4], $0x80, s26, s28, $0xb8;
	[tilespmem:$0x1F800] =	vst v63  }
0x177: {  	_ =	swait.ge [sflag:s2], $0x3000  }
0x178: {  	s14 =	sadd.s32 $0x48, s14;
	[sflag:s2] =	ssyncset.done $0x0  }
0x179: {  	p1 =	sne.s32 s14, $0x9D8;
	[sflag:s2] =	ssyncadd.s32 $0xFFFFD000  }
0x17a: {  	[spmem:s4] =	stream.indirect.scatter.add.f32 [tilespmem:s8], [sflag:$0x5], $0x80, s10, s28, $0xb8;
	[tilespmem:$0x1F800] =	vst v63  }
.Ltmp5:
0x17b: {  	_ = 	snop;
	(pc) =	sbr.rel @p1 .LBB2_6-.Ltmp5, $4  }
0x17c: {  	_ =	swait.ge [sflag:s9], $0x3000  }
0x17d: {  	[sflag:s9] =	ssyncset.done $0x0  }
0x17e: {  	[sflag:s9] =	ssyncadd.s32 $0xFFFFD000  }
0x17f: {  	[spmem:s4] =	stream.indirect.scatter.add.f32 [tilespmem:s30], [sflag:$0x6], $0x80, s19, s28, $0xb8;
	[tilespmem:$0x1F800] =	vst v63  }
.Ltmp6:
0x180: {  	_ = 	snop;
	(pc) =	sbr.rel .LBB2_7-.Ltmp6, $1  }
0x181: {  	_ =	sdelay $0x3  }
.LBB2_9:
0x182: {  	_ =	sfence.sel $0x180000  }
0x183: {  	[bflag:$0x0] =	sbarrier.arrive $0xFFFF  }
0x184: {  	_ =	strace $0x90000047  }
0x185: {  	s0 =	stileid.u32;
	[bflag:$0x2] =	sbarrier.arrive $0xFFFF  }
0x186: {  	p0 =	sne.s32 s0, $0x0;
	s0 =	rddreg [dreg:$0x5]  }
0x187: {  	s0 =	sadd.s32 @!p0 $0x100000, s0  }
0x188: {  	[sflag:s0] =	ssyncadd.tile.s32 @!p0 $0x1;
	_ =	shalt  }
.Lfunc_end2:
_tile_overlayer_lowered:
.L_overlay_start_2:
0x189: {  	(tag) =	ssettag $0x2  }
0x18a: {  	s0 =	rddreg [dreg:$0x0];
	s2 =	stileid.u32  }
0x18b: {  	s1 =	rddreg [dreg:$0x1];
	p0 =	sne.s32 s2, $0x0  }
0x18c: {  	s3 =	rddreg [dreg:$0x2];
	[bflag:$0x3] =	sbarrier.arrive $0xFFFF;
	s2 =	simm.s32 @!p0 $0x1C09  }
0x18d: {  	[timem:s3], [sflag:s2] =	dma.local @!p0 [hbm:s0], s1  }
0x18e: {  	s0 =	simm.s32 @!p0 $0x9  }
0x18f: {  	_ =	swait.ge @!p0 [sflag:s0], s1  }
0x190: {  	s1 =	ssub.s32 @!p0 $0x0, s1;
	[sflag:s0] =	ssyncset.done @!p0 $0x0  }
0x191: {  	[sflag:s0] =	ssyncadd.s32 @!p0 s1  }
0x192: {  	[bflag:$0x3] =	sbarrier.arrive $0xFFFF  }
0x193: {  	_ =	shalt  }

</sc_bundles>
